<compile_context>
chip_gen: v7x
topology: tpu7x:2x2x1
jax: 0.10.2.dev20260603
libtpu: 0.0.44.dev20260713+nightly
codegen_flags: <defaults>
</compile_context>

<pallas_src>
import functools

import jax
import jax.numpy as jnp
from jax import lax
from jax.experimental import pallas as pl
from jax.experimental.pallas import tpu as pltpu
from jax.experimental.pallas import tpu_sc as plsc

_THR = 0.99



def _sc_scan_body(T, B, CH, w_hbm, pad_hbm, c_hbm, r_hbm, q_hbm, qe_hbm,
                  w_v, c_v, r_v, q_v, qe_v, pad_v):
    cid = lax.axis_index("c")
    sid = lax.axis_index("s")

    @pl.when(jnp.logical_and(cid == 0, sid == 0))
    def _():
        pltpu.sync_copy(pad_hbm, pad_v)
        pad = pad_v[...]
        thr = jnp.full((B,), _THR, jnp.float32)
        one = jnp.full((B,), 1.0, jnp.float32)
        zero = jnp.zeros((B,), jnp.float32)
        prev0 = jnp.zeros((B,), jnp.float32)
        qc0 = jnp.zeros((B,), jnp.float32)
        prev, qc = prev0, qc0
        for ch in range(T // CH):
            pltpu.sync_copy(w_hbm.at[pl.ds(ch * CH * B, CH * B)], w_v)

            def body(t, carry):
                prev, qc = carry
                w = w_v[pl.ds(t * B, B)]
                s = prev + w
                fired = s >= thr
                rem = one - prev
                wmr = w - rem
                prev_n = jnp.where(fired, wmr, s)
                c_v[pl.ds(t * B, B)] = jnp.where(fired, wmr, w)
                tf = jnp.full((B,), ch * CH, jnp.float32) + lax.convert_element_type(
                    jnp.full((B,), 1, jnp.int32) * t, jnp.float32)
                o = jnp.logical_and(fired, pad >= tf)
                r_v[pl.ds(t * B, B)] = jnp.where(o, rem, zero)
                q_v[pl.ds(t * B, B)] = qc
                qc_n = qc + jnp.where(fired, one, zero)
                qe_v[pl.ds(t * B, B)] = qc_n
                return prev_n, qc_n

            prev, qc = lax.fori_loop(0, CH, body, (prev, qc))
            pltpu.sync_copy(c_v, c_hbm.at[pl.ds(ch * CH * B, CH * B)])
            pltpu.sync_copy(r_v, r_hbm.at[pl.ds(ch * CH * B, CH * B)])
            pltpu.sync_copy(q_v, q_hbm.at[pl.ds(ch * CH * B, CH * B)])
            pltpu.sync_copy(qe_v, qe_hbm.at[pl.ds(ch * CH * B, CH * B)])


def _sc_scan(wT, pad_start):
    T, B = wT.shape
    CH = 1024
    body = functools.partial(_sc_scan_body, T, B, CH)
    call = pl.kernel(
        body,
        out_type=[jax.ShapeDtypeStruct((T * B,), jnp.float32)
                  for _ in range(4)],
        mesh=plsc.VectorSubcoreMesh(core_axis_name="c", subcore_axis_name="s"),
        scratch_types=[pltpu.VMEM((CH * B,), jnp.float32) for _ in range(5)]
        + [pltpu.VMEM((B,), jnp.float32)],
    )
    c, r2, q, qe = call(wT.reshape(-1), pad_start)
    return (c.reshape(T, B), r2.reshape(T, B), q.reshape(T, B),
            qe.reshape(T, B))



def _combine_body(S, B, nT, x_hbm, c_ref, r_ref, q_ref, qe_ref, out_ref,
                  xbuf, sem, carry_ref):
    it = pl.program_id(0)

    def start(ci):
        pltpu.make_async_copy(
            x_hbm.at[pl.ds(ci * S, S)],
            xbuf.at[ci % 3],
            sem.at[ci % 3],
        ).start()

    @pl.when(it == 0)
    def _():
        start(0)
        start(1)
        carry_ref[...] = jnp.zeros_like(carry_ref)

    @pl.when(it + 2 < nT)
    def _():
        start(it + 2)

    pltpu.make_async_copy(
        x_hbm.at[pl.ds(it * S, S)],
        xbuf.at[it % 3], sem.at[it % 3]).wait()

    slot = it % 3
    cb_all = c_ref[...]
    rb_all = r_ref[...]
    qb_all = q_ref[...]
    lane = lax.broadcasted_iota(jnp.int32, (1, B), 1)
    ti = lax.broadcasted_iota(jnp.int32, (S, 1), 0)
    ki = lax.broadcasted_iota(jnp.int32, (1, S), 1)
    tri = ki < ti

    for b in range(B):
        x = xbuf[slot, :, b, :]
        eb = (lane == b).astype(jnp.float32)
        cc = jnp.sum(cb_all * eb, axis=1, keepdims=True)
        rr = jnp.sum(rb_all * eb, axis=1, keepdims=True)
        qq = jnp.sum(qb_all * eb, axis=1, keepdims=True)
        qe = qe_ref[0, b:b + 1, :]

        M = jnp.logical_and(tri, qq == qe).astype(jnp.float32)
        y = cc * x
        ps = jnp.dot(M, y, preferred_element_type=jnp.float32)

        q0 = qq[0:1, 0:1]
        gm = (qq == q0).astype(jnp.float32)
        carry_b = carry_ref[b:b + 1, :]
        ps = ps + gm * carry_b
        o = (rr > 0).astype(jnp.float32)
        out_ref[b] = o * ps + rr * x

        qel = qe[0:1, S - 1:S]
        mrow = (qe == qel).astype(jnp.float32)
        newc = jnp.dot(mrow, y, preferred_element_type=jnp.float32)
        nof = (qel == q0).astype(jnp.float32)
        carry_ref[b:b + 1, :] = newc + nof * carry_b


def _combine(x, c, r2, q, qe3, S):
    T, B, C = x.shape
    nT = T // S
    body = functools.partial(_combine_body, S, B, nT)
    return pl.pallas_call(
        body,
        grid=(nT,),
        in_specs=[
            pl.BlockSpec(memory_space=pl.ANY),
            pl.BlockSpec((S, B), lambda g: (g, 0)),
            pl.BlockSpec((S, B), lambda g: (g, 0)),
            pl.BlockSpec((S, B), lambda g: (g, 0)),
            pl.BlockSpec((1, B, S), lambda g: (g, 0, 0)),
        ],
        out_specs=pl.BlockSpec((B, S, C), lambda g: (0, g, 0)),
        out_shape=jax.ShapeDtypeStruct((B, T, C), jnp.float32),
        scratch_shapes=[pltpu.VMEM((3, S, B, C), jnp.float32),
                        pltpu.SemaphoreType.DMA((3,)),
                        pltpu.VMEM((B, C), jnp.float32)],
        compiler_params=pltpu.CompilerParams(
            dimension_semantics=("arbitrary",)),
    )(x, c, r2, q, qe3)



def kernel(encoder_out, encoder_padding_mask, w_proj, b_proj):
    x = jnp.transpose(encoder_out, (1, 0, 2))
    B, T, C = x.shape
    sig = jnp.einsum('btc,c->bt', x, w_proj) + b_proj
    weight = jax.nn.sigmoid(sig)
    not_pad = ~encoder_padding_mask
    weight = weight * not_pad.astype(weight.dtype)
    pad_start = not_pad.sum(-1).astype(jnp.float32)

    wT = weight.T
    c, r2, q, qe = _sc_scan(wT, pad_start)

    S = 128
    nT = T // S
    qe3 = qe.T.reshape(B, nT, S).transpose(1, 0, 2)
    return _combine(encoder_out, c, r2, q, qe3, S)

# --- scband reference (transcript-rebuilt; emitter-appended) ---
"""Pipeline reference for scband-cif-middleware-73220602462363 (READ-ONLY COPY).

The authoritative reference and input builder live on the scoring server;
editing this copy changes nothing except your own understanding.
"""

import jax, jax.numpy as jnp
import numpy as np

CIF_THRESHOLD = 0.99


def setup_inputs(seed: int = 0) -> dict:
    key = jax.random.key(seed)
    k1, k2, k3 = jax.random.split(key, 3)
    T, B, C = 2048, 16, 512
    encoder_out = jax.random.normal(k1, (T, B, C), dtype=jnp.float32)
    encoder_padding_mask = jnp.zeros((B, T), dtype=bool)
    # weight_proj: Linear(encoder_embed_dim, 1)
    w_proj = jax.random.normal(k2, (C,), dtype=jnp.float32) * 0.02
    b_proj = jnp.zeros((), dtype=jnp.float32)
    return {"encoder_out": encoder_out, "encoder_padding_mask": encoder_padding_mask, "w_proj": w_proj, "b_proj": b_proj}


def reference(encoder_out, encoder_padding_mask, w_proj, b_proj):
    # encoder_outputs['encoder_out'][0] is T x B x C; forward transposes to B x T x C
    x = jnp.transpose(encoder_out, (1, 0, 2))  # B, T, C
    B, T, C = x.shape
    # produce_weight_type == 'default': weight = sigmoid(Linear(C,1)(x))
    sig_input = jnp.einsum('btc,c->bt', x, w_proj) + b_proj
    weight = jax.nn.sigmoid(sig_input)
    not_pad = ~encoder_padding_mask
    weight = weight * not_pad.astype(weight.dtype)  # B, T
    padding_start_id = not_pad.sum(-1)  # B
    thr = CIF_THRESHOLD

    def step(carry, inp):
        prev_w, prev_s = carry  # [B], [B,C]
        w_i, x_i, i = inp  # [B], [B,C], scalar
        fired = (prev_w + w_i) >= thr  # [B]
        remained = 1.0 - prev_w
        cur_w = jnp.where(fired, w_i - remained, w_i + prev_w)
        firedE = fired[:, None]
        cur_s = jnp.where(firedE, (w_i - remained)[:, None] * x_i, prev_s + w_i[:, None] * x_i)
        fired_s = jnp.where(firedE, prev_s + remained[:, None] * x_i, jnp.zeros_like(prev_s))
        # zero out fired states beyond padding start
        fired_s = jnp.where((i > padding_start_id)[:, None], jnp.zeros_like(fired_s), fired_s)
        return (cur_w, cur_s), fired_s

    init = (jnp.zeros((B,), x.dtype), jnp.zeros((B, C), x.dtype))
    xs = (jnp.transpose(weight, (1, 0)), jnp.transpose(x, (1, 0, 2)), jnp.arange(T))
    (_, _), fired_states = jax.lax.scan(step, init, xs)
    fired_states = jnp.transpose(fired_states, (1, 0, 2))  # B, T, C
    return fired_states

if __name__ == "__main__":
    import jax
    _d = setup_inputs()
    print(jax.jit(kernel)(*tuple(_d.values())))

</pallas_src>

<mosaic_0001>
#map = affine_map<(d0, d1) -> (0)>
module attributes {stable_mosaic.version = 14 : i64} {
  func.func @_sc_scan_body(%arg0: i32, %arg1: i32, %arg2: memref<32768xf32, #tpu.memory_space<hbm>>, %arg3: memref<16xf32, #tpu.memory_space<hbm>>, %arg4: memref<32768xf32, #tpu.memory_space<hbm>>, %arg5: memref<32768xf32, #tpu.memory_space<hbm>>, %arg6: memref<32768xf32, #tpu.memory_space<hbm>>, %arg7: memref<32768xf32, #tpu.memory_space<hbm>>, %arg8: memref<16384xf32, #tpu.memory_space<vmem>>, %arg9: memref<16384xf32, #tpu.memory_space<vmem>>, %arg10: memref<16384xf32, #tpu.memory_space<vmem>>, %arg11: memref<16384xf32, #tpu.memory_space<vmem>>, %arg12: memref<16384xf32, #tpu.memory_space<vmem>>, %arg13: memref<16xf32, #tpu.memory_space<vmem>>) attributes {dimension_semantics = [#tpu.dimension_semantics<core_parallel>, #tpu.dimension_semantics<subcore_parallel>], iteration_bounds = array<i64: 2, 16>, scalar_prefetch = 0 : i64, scratch_operands = 6 : i64, tpu.core_type = #tpu.core_type<sc_vector_subcore>, window_params = [{transform_indices = #map}, {transform_indices = #map}, {transform_indices = #map}, {transform_indices = #map}, {transform_indices = #map}, {transform_indices = #map}]} {
    %eq3A = arith.constant 0 : i32
    %eq3A_0 = arith.cmpi eq, %arg0, %eq3A : i32
    %eq3A_1 = arith.constant 0 : i32
    %eq3A_2 = arith.cmpi eq, %arg1, %eq3A_1 : i32
    %and3A = arith.andi %eq3A_0, %eq3A_2 : i1
    %convert_element_type3A = arith.extui %and3A : i1 to i32
    %cond3A = arith.constant 0 : i32
    %cond3A_3 = arith.cmpi ne, %convert_element_type3A, %cond3A : i32
    scf.if %cond3A_3 {
      "tpu.region"() ({
        %run_scoped3A = tpu.sem_alloc : memref<!tpu.dma_semaphore, #tpu.memory_space<semaphore_mem>>
        tpu.enqueue_dma source(%arg3 : memref<16xf32, #tpu.memory_space<hbm>>) target(%arg13 : memref<16xf32, #tpu.memory_space<vmem>>) target_semaphore(%run_scoped3A : memref<!tpu.dma_semaphore, #tpu.memory_space<semaphore_mem>>)
        tpu.wait_dma2 semaphore(%run_scoped3A : memref<!tpu.dma_semaphore, #tpu.memory_space<semaphore_mem>>) src(%arg3 : memref<16xf32, #tpu.memory_space<hbm>>) dst(%arg13 : memref<16xf32, #tpu.memory_space<vmem>>)
        tpu.yield
      }) : () -> ()
      %get3A = arith.constant 0 : index
      %get3A_4 = tpu.vector_load %arg13[%get3A] {strides = array<i32>} : memref<16xf32, #tpu.memory_space<vmem>>, vector<16xf32>,
      %get3A_5 = vector.shape_cast %get3A_4 : vector<16xf32> to vector<16xf32>
      %broadcast_in_dim3A = arith.constant 9.900000e-01 : f32
      %broadcast_in_dim3A_6 = vector.broadcast %broadcast_in_dim3A : f32 to vector<16xf32>
      %broadcast_in_dim3A_7 = arith.constant 1.000000e+00 : f32
      %broadcast_in_dim3A_8 = vector.broadcast %broadcast_in_dim3A_7 : f32 to vector<16xf32>
      %broadcast_in_dim3A_9 = arith.constant 0.000000e+00 : f32
      %broadcast_in_dim3A_10 = vector.broadcast %broadcast_in_dim3A_9 : f32 to vector<16xf32>
      %broadcast_in_dim3A_11 = arith.constant 0.000000e+00 : f32
      %broadcast_in_dim3A_12 = vector.broadcast %broadcast_in_dim3A_11 : f32 to vector<16xf32>
      %broadcast_in_dim3A_13 = arith.constant 0.000000e+00 : f32
      %broadcast_in_dim3A_14 = vector.broadcast %broadcast_in_dim3A_13 : f32 to vector<16xf32>
      "tpu.region"() ({
        %run_scoped3A = tpu.sem_alloc : memref<!tpu.dma_semaphore, #tpu.memory_space<semaphore_mem>>
        %dma_start3A = arith.constant 0 : i32
        %dma_start3A_26 = tpu.memref_slice %arg2[%dma_start3A] : memref<32768xf32, #tpu.memory_space<hbm>> -> memref<16384xf32, #tpu.memory_space<hbm>>
        %dma_start3A_27 = arith.constant 0 : i32
        %dma_start3A_28 = tpu.memref_slice %arg2[%dma_start3A_27] : memref<32768xf32, #tpu.memory_space<hbm>> -> memref<16384xf32, #tpu.memory_space<hbm>>
        tpu.enqueue_dma source(%dma_start3A_28 : memref<16384xf32, #tpu.memory_space<hbm>>) target(%arg8 : memref<16384xf32, #tpu.memory_space<vmem>>) target_semaphore(%run_scoped3A : memref<!tpu.dma_semaphore, #tpu.memory_space<semaphore_mem>>)
        %dma_wait3A = arith.constant 0 : i32
        %dma_wait3A_29 = tpu.memref_slice %arg2[%dma_wait3A] : memref<32768xf32, #tpu.memory_space<hbm>> -> memref<16384xf32, #tpu.memory_space<hbm>>
        %dma_wait3A_30 = arith.constant 0 : i32
        %dma_wait3A_31 = tpu.memref_slice %arg2[%dma_wait3A_30] : memref<32768xf32, #tpu.memory_space<hbm>> -> memref<16384xf32, #tpu.memory_space<hbm>>
        tpu.wait_dma2 semaphore(%run_scoped3A : memref<!tpu.dma_semaphore, #tpu.memory_space<semaphore_mem>>) src(%dma_wait3A_31 : memref<16384xf32, #tpu.memory_space<hbm>>) dst(%arg8 : memref<16384xf32, #tpu.memory_space<vmem>>)
        tpu.yield
      }) : () -> ()
      %scan3A = arith.constant 0 : i32
      %scan3A_15 = arith.constant 1024 : i32
      %scan3A_16 = arith.addi %scan3A, %scan3A_15 : i32
      %scan3A_17 = arith.constant 1 : i32
      %scan3A_18:2 = scf.for %scan3A_26 = %scan3A to %scan3A_16 step %scan3A_17 iter_args(%scan3A_27 = %broadcast_in_dim3A_12, %scan3A_28 = %broadcast_in_dim3A_14) -> (vector<16xf32>, vector<16xf32>)  : i32 {
        %mul3A = arith.constant 16 : i32
        %mul3A_29 = arith.muli %scan3A_26, %mul3A : i32
        %get3A_30 = arith.index_cast %mul3A_29 : i32 to index
        %get3A_31 = tpu.vector_load %arg8[%get3A_30] {strides = array<i32>} : memref<16384xf32, #tpu.memory_space<vmem>>, vector<16xf32>,
        %get3A_32 = vector.shape_cast %get3A_31 : vector<16xf32> to vector<16xf32>
        %add3A = arith.addf %scan3A_27, %get3A_32 : vector<16xf32>
        %ge3A = arith.cmpf oge, %add3A, %broadcast_in_dim3A_6 : vector<16xf32>
        %sub3A = arith.subf %broadcast_in_dim3A_8, %scan3A_27 : vector<16xf32>
        %sub3A_33 = arith.subf %get3A_32, %sub3A : vector<16xf32>
        %select_n3A = arith.select %ge3A, %sub3A_33, %add3A : vector<16xi1>, vector<16xf32>
        %select_n3A_34 = arith.select %ge3A, %sub3A_33, %get3A_32 : vector<16xi1>, vector<16xf32>
        %mul3A_35 = arith.constant 16 : i32
        %mul3A_36 = arith.muli %scan3A_26, %mul3A_35 : i32
        %swap3A = arith.index_cast %mul3A_36 : i32 to index
        %swap3A_37 = tpu.vector_load %arg9[%swap3A] {strides = array<i32>} : memref<16384xf32, #tpu.memory_space<vmem>>, vector<16xf32>,
        %swap3A_38 = vector.shape_cast %swap3A_37 : vector<16xf32> to vector<16xf32>
        %swap3A_39 = vector.shape_cast %select_n3A_34 : vector<16xf32> to vector<16xf32>
        tpu.vector_store %arg9[%swap3A], %swap3A_39 {strides = array<i32>} : memref<16384xf32, #tpu.memory_space<vmem>>, vector<16xf32>,
        %broadcast_in_dim3A_40 = arith.constant 0.000000e+00 : f32
        %broadcast_in_dim3A_41 = vector.broadcast %broadcast_in_dim3A_40 : f32 to vector<16xf32>
        %broadcast_in_dim3A_42 = arith.constant 1 : i32
        %broadcast_in_dim3A_43 = vector.broadcast %broadcast_in_dim3A_42 : i32 to vector<16xi32>
        %mul3A_44 = vector.broadcast %scan3A_26 : i32 to vector<16xi32>
        %mul3A_45 = arith.muli %broadcast_in_dim3A_43, %mul3A_44 : vector<16xi32>
        %convert_element_type3A_46 = arith.sitofp %mul3A_45 : vector<16xi32> to vector<16xf32>
        %add3A_47 = arith.addf %broadcast_in_dim3A_41, %convert_element_type3A_46 : vector<16xf32>
        %ge3A_48 = arith.cmpf oge, %get3A_5, %add3A_47 : vector<16xf32>
        %and3A_49 = arith.andi %ge3A, %ge3A_48 : vector<16xi1>
        %select_n3A_50 = arith.select %and3A_49, %sub3A, %broadcast_in_dim3A_10 : vector<16xi1>, vector<16xf32>
        %mul3A_51 = arith.constant 16 : i32
        %mul3A_52 = arith.muli %scan3A_26, %mul3A_51 : i32
        %swap3A_53 = arith.index_cast %mul3A_52 : i32 to index
        %swap3A_54 = tpu.vector_load %arg10[%swap3A_53] {strides = array<i32>} : memref<16384xf32, #tpu.memory_space<vmem>>, vector<16xf32>,
        %swap3A_55 = vector.shape_cast %swap3A_54 : vector<16xf32> to vector<16xf32>
        %swap3A_56 = vector.shape_cast %select_n3A_50 : vector<16xf32> to vector<16xf32>
        tpu.vector_store %arg10[%swap3A_53], %swap3A_56 {strides = array<i32>} : memref<16384xf32, #tpu.memory_space<vmem>>, vector<16xf32>,
        %mul3A_57 = arith.constant 16 : i32
        %mul3A_58 = arith.muli %scan3A_26, %mul3A_57 : i32
        %swap3A_59 = arith.index_cast %mul3A_58 : i32 to index
        %swap3A_60 = tpu.vector_load %arg11[%swap3A_59] {strides = array<i32>} : memref<16384xf32, #tpu.memory_space<vmem>>, vector<16xf32>,
        %swap3A_61 = vector.shape_cast %swap3A_60 : vector<16xf32> to vector<16xf32>
        %swap3A_62 = vector.shape_cast %scan3A_28 : vector<16xf32> to vector<16xf32>
        tpu.vector_store %arg11[%swap3A_59], %swap3A_62 {strides = array<i32>} : memref<16384xf32, #tpu.memory_space<vmem>>, vector<16xf32>,
        %select_n3A_63 = arith.select %ge3A, %broadcast_in_dim3A_8, %broadcast_in_dim3A_10 : vector<16xi1>, vector<16xf32>
        %add3A_64 = arith.addf %scan3A_28, %select_n3A_63 : vector<16xf32>
        %mul3A_65 = arith.constant 16 : i32
        %mul3A_66 = arith.muli %scan3A_26, %mul3A_65 : i32
        %swap3A_67 = arith.index_cast %mul3A_66 : i32 to index
        %swap3A_68 = tpu.vector_load %arg12[%swap3A_67] {strides = array<i32>} : memref<16384xf32, #tpu.memory_space<vmem>>, vector<16xf32>,
        %swap3A_69 = vector.shape_cast %swap3A_68 : vector<16xf32> to vector<16xf32>
        %swap3A_70 = vector.shape_cast %add3A_64 : vector<16xf32> to vector<16xf32>
        tpu.vector_store %arg12[%swap3A_67], %swap3A_70 {strides = array<i32>} : memref<16384xf32, #tpu.memory_space<vmem>>, vector<16xf32>,
        scf.yield %select_n3A, %add3A_64 : vector<16xf32>, vector<16xf32>
      }
      %scan3A_19 = arith.constant 1024 : i32
      "tpu.region"() ({
        %run_scoped3A = tpu.sem_alloc : memref<!tpu.dma_semaphore, #tpu.memory_space<semaphore_mem>>
        %dma_start3A = arith.constant 0 : i32
        %dma_start3A_26 = tpu.memref_slice %arg4[%dma_start3A] : memref<32768xf32, #tpu.memory_space<hbm>> -> memref<16384xf32, #tpu.memory_space<hbm>>
        %dma_start3A_27 = arith.constant 0 : i32
        %dma_start3A_28 = tpu.memref_slice %arg4[%dma_start3A_27] : memref<32768xf32, #tpu.memory_space<hbm>> -> memref<16384xf32, #tpu.memory_space<hbm>>
        tpu.enqueue_dma source(%arg9 : memref<16384xf32, #tpu.memory_space<vmem>>) target(%dma_start3A_28 : memref<16384xf32, #tpu.memory_space<hbm>>) target_semaphore(%run_scoped3A : memref<!tpu.dma_semaphore, #tpu.memory_space<semaphore_mem>>)
        %dma_wait3A = arith.constant 0 : i32
        %dma_wait3A_29 = tpu.memref_slice %arg4[%dma_wait3A] : memref<32768xf32, #tpu.memory_space<hbm>> -> memref<16384xf32, #tpu.memory_space<hbm>>
        %dma_wait3A_30 = arith.constant 0 : i32
        %dma_wait3A_31 = tpu.memref_slice %arg4[%dma_wait3A_30] : memref<32768xf32, #tpu.memory_space<hbm>> -> memref<16384xf32, #tpu.memory_space<hbm>>
        tpu.wait_dma2 semaphore(%run_scoped3A : memref<!tpu.dma_semaphore, #tpu.memory_space<semaphore_mem>>) src(%arg9 : memref<16384xf32, #tpu.memory_space<vmem>>) dst(%dma_wait3A_31 : memref<16384xf32, #tpu.memory_space<hbm>>)
        tpu.yield
      }) : () -> ()
      "tpu.region"() ({
        %run_scoped3A = tpu.sem_alloc : memref<!tpu.dma_semaphore, #tpu.memory_space<semaphore_mem>>
        %dma_start3A = arith.constant 0 : i32
        %dma_start3A_26 = tpu.memref_slice %arg5[%dma_start3A] : memref<32768xf32, #tpu.memory_space<hbm>> -> memref<16384xf32, #tpu.memory_space<hbm>>
        %dma_start3A_27 = arith.constant 0 : i32
        %dma_start3A_28 = tpu.memref_slice %arg5[%dma_start3A_27] : memref<32768xf32, #tpu.memory_space<hbm>> -> memref<16384xf32, #tpu.memory_space<hbm>>
        tpu.enqueue_dma source(%arg10 : memref<16384xf32, #tpu.memory_space<vmem>>) target(%dma_start3A_28 : memref<16384xf32, #tpu.memory_space<hbm>>) target_semaphore(%run_scoped3A : memref<!tpu.dma_semaphore, #tpu.memory_space<semaphore_mem>>)
        %dma_wait3A = arith.constant 0 : i32
        %dma_wait3A_29 = tpu.memref_slice %arg5[%dma_wait3A] : memref<32768xf32, #tpu.memory_space<hbm>> -> memref<16384xf32, #tpu.memory_space<hbm>>
        %dma_wait3A_30 = arith.constant 0 : i32
        %dma_wait3A_31 = tpu.memref_slice %arg5[%dma_wait3A_30] : memref<32768xf32, #tpu.memory_space<hbm>> -> memref<16384xf32, #tpu.memory_space<hbm>>
        tpu.wait_dma2 semaphore(%run_scoped3A : memref<!tpu.dma_semaphore, #tpu.memory_space<semaphore_mem>>) src(%arg10 : memref<16384xf32, #tpu.memory_space<vmem>>) dst(%dma_wait3A_31 : memref<16384xf32, #tpu.memory_space<hbm>>)
        tpu.yield
      }) : () -> ()
      "tpu.region"() ({
        %run_scoped3A = tpu.sem_alloc : memref<!tpu.dma_semaphore, #tpu.memory_space<semaphore_mem>>
        %dma_start3A = arith.constant 0 : i32
        %dma_start3A_26 = tpu.memref_slice %arg6[%dma_start3A] : memref<32768xf32, #tpu.memory_space<hbm>> -> memref<16384xf32, #tpu.memory_space<hbm>>
        %dma_start3A_27 = arith.constant 0 : i32
        %dma_start3A_28 = tpu.memref_slice %arg6[%dma_start3A_27] : memref<32768xf32, #tpu.memory_space<hbm>> -> memref<16384xf32, #tpu.memory_space<hbm>>
        tpu.enqueue_dma source(%arg11 : memref<16384xf32, #tpu.memory_space<vmem>>) target(%dma_start3A_28 : memref<16384xf32, #tpu.memory_space<hbm>>) target_semaphore(%run_scoped3A : memref<!tpu.dma_semaphore, #tpu.memory_space<semaphore_mem>>)
        %dma_wait3A = arith.constant 0 : i32
        %dma_wait3A_29 = tpu.memref_slice %arg6[%dma_wait3A] : memref<32768xf32, #tpu.memory_space<hbm>> -> memref<16384xf32, #tpu.memory_space<hbm>>
        %dma_wait3A_30 = arith.constant 0 : i32
        %dma_wait3A_31 = tpu.memref_slice %arg6[%dma_wait3A_30] : memref<32768xf32, #tpu.memory_space<hbm>> -> memref<16384xf32, #tpu.memory_space<hbm>>
        tpu.wait_dma2 semaphore(%run_scoped3A : memref<!tpu.dma_semaphore, #tpu.memory_space<semaphore_mem>>) src(%arg11 : memref<16384xf32, #tpu.memory_space<vmem>>) dst(%dma_wait3A_31 : memref<16384xf32, #tpu.memory_space<hbm>>)
        tpu.yield
      }) : () -> ()
      "tpu.region"() ({
        %run_scoped3A = tpu.sem_alloc : memref<!tpu.dma_semaphore, #tpu.memory_space<semaphore_mem>>
        %dma_start3A = arith.constant 0 : i32
        %dma_start3A_26 = tpu.memref_slice %arg7[%dma_start3A] : memref<32768xf32, #tpu.memory_space<hbm>> -> memref<16384xf32, #tpu.memory_space<hbm>>
        %dma_start3A_27 = arith.constant 0 : i32
        %dma_start3A_28 = tpu.memref_slice %arg7[%dma_start3A_27] : memref<32768xf32, #tpu.memory_space<hbm>> -> memref<16384xf32, #tpu.memory_space<hbm>>
        tpu.enqueue_dma source(%arg12 : memref<16384xf32, #tpu.memory_space<vmem>>) target(%dma_start3A_28 : memref<16384xf32, #tpu.memory_space<hbm>>) target_semaphore(%run_scoped3A : memref<!tpu.dma_semaphore, #tpu.memory_space<semaphore_mem>>)
        %dma_wait3A = arith.constant 0 : i32
        %dma_wait3A_29 = tpu.memref_slice %arg7[%dma_wait3A] : memref<32768xf32, #tpu.memory_space<hbm>> -> memref<16384xf32, #tpu.memory_space<hbm>>
        %dma_wait3A_30 = arith.constant 0 : i32
        %dma_wait3A_31 = tpu.memref_slice %arg7[%dma_wait3A_30] : memref<32768xf32, #tpu.memory_space<hbm>> -> memref<16384xf32, #tpu.memory_space<hbm>>
        tpu.wait_dma2 semaphore(%run_scoped3A : memref<!tpu.dma_semaphore, #tpu.memory_space<semaphore_mem>>) src(%arg12 : memref<16384xf32, #tpu.memory_space<vmem>>) dst(%dma_wait3A_31 : memref<16384xf32, #tpu.memory_space<hbm>>)
        tpu.yield
      }) : () -> ()
      "tpu.region"() ({
        %run_scoped3A = tpu.sem_alloc : memref<!tpu.dma_semaphore, #tpu.memory_space<semaphore_mem>>
        %dma_start3A = arith.constant 16384 : i32
        %dma_start3A_26 = tpu.memref_slice %arg2[%dma_start3A] : memref<32768xf32, #tpu.memory_space<hbm>> -> memref<16384xf32, #tpu.memory_space<hbm>>
        %dma_start3A_27 = arith.constant 16384 : i32
        %dma_start3A_28 = tpu.memref_slice %arg2[%dma_start3A_27] : memref<32768xf32, #tpu.memory_space<hbm>> -> memref<16384xf32, #tpu.memory_space<hbm>>
        tpu.enqueue_dma source(%dma_start3A_28 : memref<16384xf32, #tpu.memory_space<hbm>>) target(%arg8 : memref<16384xf32, #tpu.memory_space<vmem>>) target_semaphore(%run_scoped3A : memref<!tpu.dma_semaphore, #tpu.memory_space<semaphore_mem>>)
        %dma_wait3A = arith.constant 16384 : i32
        %dma_wait3A_29 = tpu.memref_slice %arg2[%dma_wait3A] : memref<32768xf32, #tpu.memory_space<hbm>> -> memref<16384xf32, #tpu.memory_space<hbm>>
        %dma_wait3A_30 = arith.constant 16384 : i32
        %dma_wait3A_31 = tpu.memref_slice %arg2[%dma_wait3A_30] : memref<32768xf32, #tpu.memory_space<hbm>> -> memref<16384xf32, #tpu.memory_space<hbm>>
        tpu.wait_dma2 semaphore(%run_scoped3A : memref<!tpu.dma_semaphore, #tpu.memory_space<semaphore_mem>>) src(%dma_wait3A_31 : memref<16384xf32, #tpu.memory_space<hbm>>) dst(%arg8 : memref<16384xf32, #tpu.memory_space<vmem>>)
        tpu.yield
      }) : () -> ()
      %scan3A_20 = arith.constant 0 : i32
      %scan3A_21 = arith.constant 1024 : i32
      %scan3A_22 = arith.addi %scan3A_20, %scan3A_21 : i32
      %scan3A_23 = arith.constant 1 : i32
      %scan3A_24:2 = scf.for %scan3A_26 = %scan3A_20 to %scan3A_22 step %scan3A_23 iter_args(%scan3A_27 = %scan3A_18#0, %scan3A_28 = %scan3A_18#1) -> (vector<16xf32>, vector<16xf32>)  : i32 {
        %mul3A = arith.constant 16 : i32
        %mul3A_29 = arith.muli %scan3A_26, %mul3A : i32
        %get3A_30 = arith.index_cast %mul3A_29 : i32 to index
        %get3A_31 = tpu.vector_load %arg8[%get3A_30] {strides = array<i32>} : memref<16384xf32, #tpu.memory_space<vmem>>, vector<16xf32>,
        %get3A_32 = vector.shape_cast %get3A_31 : vector<16xf32> to vector<16xf32>
        %add3A = arith.addf %scan3A_27, %get3A_32 : vector<16xf32>
        %ge3A = arith.cmpf oge, %add3A, %broadcast_in_dim3A_6 : vector<16xf32>
        %sub3A = arith.subf %broadcast_in_dim3A_8, %scan3A_27 : vector<16xf32>
        %sub3A_33 = arith.subf %get3A_32, %sub3A : vector<16xf32>
        %select_n3A = arith.select %ge3A, %sub3A_33, %add3A : vector<16xi1>, vector<16xf32>
        %select_n3A_34 = arith.select %ge3A, %sub3A_33, %get3A_32 : vector<16xi1>, vector<16xf32>
        %mul3A_35 = arith.constant 16 : i32
        %mul3A_36 = arith.muli %scan3A_26, %mul3A_35 : i32
        %swap3A = arith.index_cast %mul3A_36 : i32 to index
        %swap3A_37 = tpu.vector_load %arg9[%swap3A] {strides = array<i32>} : memref<16384xf32, #tpu.memory_space<vmem>>, vector<16xf32>,
        %swap3A_38 = vector.shape_cast %swap3A_37 : vector<16xf32> to vector<16xf32>
        %swap3A_39 = vector.shape_cast %select_n3A_34 : vector<16xf32> to vector<16xf32>
        tpu.vector_store %arg9[%swap3A], %swap3A_39 {strides = array<i32>} : memref<16384xf32, #tpu.memory_space<vmem>>, vector<16xf32>,
        %broadcast_in_dim3A_40 = arith.constant 1.024000e+03 : f32
        %broadcast_in_dim3A_41 = vector.broadcast %broadcast_in_dim3A_40 : f32 to vector<16xf32>
        %broadcast_in_dim3A_42 = arith.constant 1 : i32
        %broadcast_in_dim3A_43 = vector.broadcast %broadcast_in_dim3A_42 : i32 to vector<16xi32>
        %mul3A_44 = vector.broadcast %scan3A_26 : i32 to vector<16xi32>
        %mul3A_45 = arith.muli %broadcast_in_dim3A_43, %mul3A_44 : vector<16xi32>
        %convert_element_type3A_46 = arith.sitofp %mul3A_45 : vector<16xi32> to vector<16xf32>
        %add3A_47 = arith.addf %broadcast_in_dim3A_41, %convert_element_type3A_46 : vector<16xf32>
        %ge3A_48 = arith.cmpf oge, %get3A_5, %add3A_47 : vector<16xf32>
        %and3A_49 = arith.andi %ge3A, %ge3A_48 : vector<16xi1>
        %select_n3A_50 = arith.select %and3A_49, %sub3A, %broadcast_in_dim3A_10 : vector<16xi1>, vector<16xf32>
        %mul3A_51 = arith.constant 16 : i32
        %mul3A_52 = arith.muli %scan3A_26, %mul3A_51 : i32
        %swap3A_53 = arith.index_cast %mul3A_52 : i32 to index
        %swap3A_54 = tpu.vector_load %arg10[%swap3A_53] {strides = array<i32>} : memref<16384xf32, #tpu.memory_space<vmem>>, vector<16xf32>,
        %swap3A_55 = vector.shape_cast %swap3A_54 : vector<16xf32> to vector<16xf32>
        %swap3A_56 = vector.shape_cast %select_n3A_50 : vector<16xf32> to vector<16xf32>
        tpu.vector_store %arg10[%swap3A_53], %swap3A_56 {strides = array<i32>} : memref<16384xf32, #tpu.memory_space<vmem>>, vector<16xf32>,
        %mul3A_57 = arith.constant 16 : i32
        %mul3A_58 = arith.muli %scan3A_26, %mul3A_57 : i32
        %swap3A_59 = arith.index_cast %mul3A_58 : i32 to index
        %swap3A_60 = tpu.vector_load %arg11[%swap3A_59] {strides = array<i32>} : memref<16384xf32, #tpu.memory_space<vmem>>, vector<16xf32>,
        %swap3A_61 = vector.shape_cast %swap3A_60 : vector<16xf32> to vector<16xf32>
        %swap3A_62 = vector.shape_cast %scan3A_28 : vector<16xf32> to vector<16xf32>
        tpu.vector_store %arg11[%swap3A_59], %swap3A_62 {strides = array<i32>} : memref<16384xf32, #tpu.memory_space<vmem>>, vector<16xf32>,
        %select_n3A_63 = arith.select %ge3A, %broadcast_in_dim3A_8, %broadcast_in_dim3A_10 : vector<16xi1>, vector<16xf32>
        %add3A_64 = arith.addf %scan3A_28, %select_n3A_63 : vector<16xf32>
        %mul3A_65 = arith.constant 16 : i32
        %mul3A_66 = arith.muli %scan3A_26, %mul3A_65 : i32
        %swap3A_67 = arith.index_cast %mul3A_66 : i32 to index
        %swap3A_68 = tpu.vector_load %arg12[%swap3A_67] {strides = array<i32>} : memref<16384xf32, #tpu.memory_space<vmem>>, vector<16xf32>,
        %swap3A_69 = vector.shape_cast %swap3A_68 : vector<16xf32> to vector<16xf32>
        %swap3A_70 = vector.shape_cast %add3A_64 : vector<16xf32> to vector<16xf32>
        tpu.vector_store %arg12[%swap3A_67], %swap3A_70 {strides = array<i32>} : memref<16384xf32, #tpu.memory_space<vmem>>, vector<16xf32>,
        scf.yield %select_n3A, %add3A_64 : vector<16xf32>, vector<16xf32>
      }
      %scan3A_25 = arith.constant 1024 : i32
      "tpu.region"() ({
        %run_scoped3A = tpu.sem_alloc : memref<!tpu.dma_semaphore, #tpu.memory_space<semaphore_mem>>
        %dma_start3A = arith.constant 16384 : i32
        %dma_start3A_26 = tpu.memref_slice %arg4[%dma_start3A] : memref<32768xf32, #tpu.memory_space<hbm>> -> memref<16384xf32, #tpu.memory_space<hbm>>
        %dma_start3A_27 = arith.constant 16384 : i32
        %dma_start3A_28 = tpu.memref_slice %arg4[%dma_start3A_27] : memref<32768xf32, #tpu.memory_space<hbm>> -> memref<16384xf32, #tpu.memory_space<hbm>>
        tpu.enqueue_dma source(%arg9 : memref<16384xf32, #tpu.memory_space<vmem>>) target(%dma_start3A_28 : memref<16384xf32, #tpu.memory_space<hbm>>) target_semaphore(%run_scoped3A : memref<!tpu.dma_semaphore, #tpu.memory_space<semaphore_mem>>)
        %dma_wait3A = arith.constant 16384 : i32
        %dma_wait3A_29 = tpu.memref_slice %arg4[%dma_wait3A] : memref<32768xf32, #tpu.memory_space<hbm>> -> memref<16384xf32, #tpu.memory_space<hbm>>
        %dma_wait3A_30 = arith.constant 16384 : i32
        %dma_wait3A_31 = tpu.memref_slice %arg4[%dma_wait3A_30] : memref<32768xf32, #tpu.memory_space<hbm>> -> memref<16384xf32, #tpu.memory_space<hbm>>
        tpu.wait_dma2 semaphore(%run_scoped3A : memref<!tpu.dma_semaphore, #tpu.memory_space<semaphore_mem>>) src(%arg9 : memref<16384xf32, #tpu.memory_space<vmem>>) dst(%dma_wait3A_31 : memref<16384xf32, #tpu.memory_space<hbm>>)
        tpu.yield
      }) : () -> ()
      "tpu.region"() ({
        %run_scoped3A = tpu.sem_alloc : memref<!tpu.dma_semaphore, #tpu.memory_space<semaphore_mem>>
        %dma_start3A = arith.constant 16384 : i32
        %dma_start3A_26 = tpu.memref_slice %arg5[%dma_start3A] : memref<32768xf32, #tpu.memory_space<hbm>> -> memref<16384xf32, #tpu.memory_space<hbm>>
        %dma_start3A_27 = arith.constant 16384 : i32
        %dma_start3A_28 = tpu.memref_slice %arg5[%dma_start3A_27] : memref<32768xf32, #tpu.memory_space<hbm>> -> memref<16384xf32, #tpu.memory_space<hbm>>
        tpu.enqueue_dma source(%arg10 : memref<16384xf32, #tpu.memory_space<vmem>>) target(%dma_start3A_28 : memref<16384xf32, #tpu.memory_space<hbm>>) target_semaphore(%run_scoped3A : memref<!tpu.dma_semaphore, #tpu.memory_space<semaphore_mem>>)
        %dma_wait3A = arith.constant 16384 : i32
        %dma_wait3A_29 = tpu.memref_slice %arg5[%dma_wait3A] : memref<32768xf32, #tpu.memory_space<hbm>> -> memref<16384xf32, #tpu.memory_space<hbm>>
        %dma_wait3A_30 = arith.constant 16384 : i32
        %dma_wait3A_31 = tpu.memref_slice %arg5[%dma_wait3A_30] : memref<32768xf32, #tpu.memory_space<hbm>> -> memref<16384xf32, #tpu.memory_space<hbm>>
        tpu.wait_dma2 semaphore(%run_scoped3A : memref<!tpu.dma_semaphore, #tpu.memory_space<semaphore_mem>>) src(%arg10 : memref<16384xf32, #tpu.memory_space<vmem>>) dst(%dma_wait3A_31 : memref<16384xf32, #tpu.memory_space<hbm>>)
        tpu.yield
      }) : () -> ()
      "tpu.region"() ({
        %run_scoped3A = tpu.sem_alloc : memref<!tpu.dma_semaphore, #tpu.memory_space<semaphore_mem>>
        %dma_start3A = arith.constant 16384 : i32
        %dma_start3A_26 = tpu.memref_slice %arg6[%dma_start3A] : memref<32768xf32, #tpu.memory_space<hbm>> -> memref<16384xf32, #tpu.memory_space<hbm>>
        %dma_start3A_27 = arith.constant 16384 : i32
        %dma_start3A_28 = tpu.memref_slice %arg6[%dma_start3A_27] : memref<32768xf32, #tpu.memory_space<hbm>> -> memref<16384xf32, #tpu.memory_space<hbm>>
        tpu.enqueue_dma source(%arg11 : memref<16384xf32, #tpu.memory_space<vmem>>) target(%dma_start3A_28 : memref<16384xf32, #tpu.memory_space<hbm>>) target_semaphore(%run_scoped3A : memref<!tpu.dma_semaphore, #tpu.memory_space<semaphore_mem>>)
        %dma_wait3A = arith.constant 16384 : i32
        %dma_wait3A_29 = tpu.memref_slice %arg6[%dma_wait3A] : memref<32768xf32, #tpu.memory_space<hbm>> -> memref<16384xf32, #tpu.memory_space<hbm>>
        %dma_wait3A_30 = arith.constant 16384 : i32
        %dma_wait3A_31 = tpu.memref_slice %arg6[%dma_wait3A_30] : memref<32768xf32, #tpu.memory_space<hbm>> -> memref<16384xf32, #tpu.memory_space<hbm>>
        tpu.wait_dma2 semaphore(%run_scoped3A : memref<!tpu.dma_semaphore, #tpu.memory_space<semaphore_mem>>) src(%arg11 : memref<16384xf32, #tpu.memory_space<vmem>>) dst(%dma_wait3A_31 : memref<16384xf32, #tpu.memory_space<hbm>>)
        tpu.yield
      }) : () -> ()
      "tpu.region"() ({
        %run_scoped3A = tpu.sem_alloc : memref<!tpu.dma_semaphore, #tpu.memory_space<semaphore_mem>>
        %dma_start3A = arith.constant 16384 : i32
        %dma_start3A_26 = tpu.memref_slice %arg7[%dma_start3A] : memref<32768xf32, #tpu.memory_space<hbm>> -> memref<16384xf32, #tpu.memory_space<hbm>>
        %dma_start3A_27 = arith.constant 16384 : i32
        %dma_start3A_28 = tpu.memref_slice %arg7[%dma_start3A_27] : memref<32768xf32, #tpu.memory_space<hbm>> -> memref<16384xf32, #tpu.memory_space<hbm>>
        tpu.enqueue_dma source(%arg12 : memref<16384xf32, #tpu.memory_space<vmem>>) target(%dma_start3A_28 : memref<16384xf32, #tpu.memory_space<hbm>>) target_semaphore(%run_scoped3A : memref<!tpu.dma_semaphore, #tpu.memory_space<semaphore_mem>>)
        %dma_wait3A = arith.constant 16384 : i32
        %dma_wait3A_29 = tpu.memref_slice %arg7[%dma_wait3A] : memref<32768xf32, #tpu.memory_space<hbm>> -> memref<16384xf32, #tpu.memory_space<hbm>>
        %dma_wait3A_30 = arith.constant 16384 : i32
        %dma_wait3A_31 = tpu.memref_slice %arg7[%dma_wait3A_30] : memref<32768xf32, #tpu.memory_space<hbm>> -> memref<16384xf32, #tpu.memory_space<hbm>>
        tpu.wait_dma2 semaphore(%run_scoped3A : memref<!tpu.dma_semaphore, #tpu.memory_space<semaphore_mem>>) src(%arg12 : memref<16384xf32, #tpu.memory_space<vmem>>) dst(%dma_wait3A_31 : memref<16384xf32, #tpu.memory_space<hbm>>)
        tpu.yield
      }) : () -> ()
    } else {
    }
    return
  }
}

module attributes {stable_mosaic.version = 14 : i64} {
  func.func @_combine_body(%arg0: i32, %arg1: memref<2048x16x512xf32, #tpu.memory_space<any>>, %arg2: memref<128x16xf32, #tpu.memory_space<vmem>>, %arg3: memref<128x16xf32, #tpu.memory_space<vmem>>, %arg4: memref<128x16xf32, #tpu.memory_space<vmem>>, %arg5: memref<1x16x128xf32, #tpu.memory_space<vmem>>, %arg6: memref<16x128x512xf32, #tpu.memory_space<vmem>>, %arg7: memref<3x128x16x512xf32, #tpu.memory_space<vmem>>, %arg8: memref<3x!tpu.dma_semaphore, #tpu.memory_space<semaphore_mem>>, %arg9: memref<16x512xf32, #tpu.memory_space<vmem>>) attributes {dimension_semantics = [#tpu.dimension_semantics<arbitrary>], iteration_bounds = array<i64: 16>, scalar_prefetch = 0 : i64, scratch_operands = 3 : i64, tpu.core_type = #tpu.core_type<tc>, window_params = [{}, {transform_indices = @transform_1, window_bounds = array<i64: 128, 16>}, {transform_indices = @transform_2, window_bounds = array<i64: 128, 16>}, {transform_indices = @transform_3, window_bounds = array<i64: 128, 16>}, {transform_indices = @transform_4, window_bounds = array<i64: 1, 16, 128>}, {transform_indices = @transform_5, window_bounds = array<i64: 16, 128, 512>}]} {
    %eq3A = arith.constant 0 : i32
    %eq3A_0 = arith.cmpi eq, %arg0, %eq3A : i32
    %convert_element_type3A = arith.extui %eq3A_0 : i1 to i32
    %cond3A = arith.constant 0 : i32
    %cond3A_1 = arith.cmpi ne, %convert_element_type3A, %cond3A : i32
    scf.if %cond3A_1 {
      %dma_start3A = arith.constant 0 : i32
      %dma_start3A_1427 = arith.constant 0 : i32
      %dma_start3A_1428 = tpu.memref_slice %arg8[%dma_start3A_1427] : memref<3x!tpu.dma_semaphore, #tpu.memory_space<semaphore_mem>> -> memref<1x!tpu.dma_semaphore, #tpu.memory_space<semaphore_mem>>
      %dma_start3A_1429 = tpu.memref_squeeze %dma_start3A_1428 : memref<1x!tpu.dma_semaphore, #tpu.memory_space<semaphore_mem>> -> memref<!tpu.dma_semaphore, #tpu.memory_space<semaphore_mem>>
      %dma_start3A_1430 = arith.constant 0 : i32
      %dma_start3A_1431 = arith.constant 0 : i32
      %dma_start3A_1432 = arith.constant 0 : i32
      %dma_start3A_1433 = tpu.memref_slice %arg7[%dma_start3A, %dma_start3A_1430, %dma_start3A_1431, %dma_start3A_1432] : memref<3x128x16x512xf32, #tpu.memory_space<vmem>> -> memref<1x128x16x512xf32, #tpu.memory_space<vmem>>
      %dma_start3A_1434 = tpu.memref_squeeze %dma_start3A_1433 : memref<1x128x16x512xf32, #tpu.memory_space<vmem>> -> memref<128x16x512xf32, #tpu.memory_space<vmem>>
      %dma_start3A_1435 = arith.constant 0 : i32
      %dma_start3A_1436 = arith.constant 0 : i32
      %dma_start3A_1437 = arith.constant 0 : i32
      %dma_start3A_1438 = tpu.memref_slice %arg1[%dma_start3A_1435, %dma_start3A_1436, %dma_start3A_1437] : memref<2048x16x512xf32, #tpu.memory_space<any>> -> memref<128x16x512xf32, #tpu.memory_space<any>>
      tpu.enqueue_dma source(%dma_start3A_1438 : memref<128x16x512xf32, #tpu.memory_space<any>>) target(%dma_start3A_1434 : memref<128x16x512xf32, #tpu.memory_space<vmem>>) target_semaphore(%dma_start3A_1429 : memref<!tpu.dma_semaphore, #tpu.memory_space<semaphore_mem>>)
      %dma_start3A_1439 = arith.constant 1 : i32
      %dma_start3A_1440 = arith.constant 1 : i32
      %dma_start3A_1441 = tpu.memref_slice %arg8[%dma_start3A_1440] : memref<3x!tpu.dma_semaphore, #tpu.memory_space<semaphore_mem>> -> memref<1x!tpu.dma_semaphore, #tpu.memory_space<semaphore_mem>>
      %dma_start3A_1442 = tpu.memref_squeeze %dma_start3A_1441 : memref<1x!tpu.dma_semaphore, #tpu.memory_space<semaphore_mem>> -> memref<!tpu.dma_semaphore, #tpu.memory_space<semaphore_mem>>
      %dma_start3A_1443 = arith.constant 0 : i32
      %dma_start3A_1444 = arith.constant 0 : i32
      %dma_start3A_1445 = arith.constant 0 : i32
      %dma_start3A_1446 = tpu.memref_slice %arg7[%dma_start3A_1439, %dma_start3A_1443, %dma_start3A_1444, %dma_start3A_1445] : memref<3x128x16x512xf32, #tpu.memory_space<vmem>> -> memref<1x128x16x512xf32, #tpu.memory_space<vmem>>
      %dma_start3A_1447 = tpu.memref_squeeze %dma_start3A_1446 : memref<1x128x16x512xf32, #tpu.memory_space<vmem>> -> memref<128x16x512xf32, #tpu.memory_space<vmem>>
      %dma_start3A_1448 = arith.constant 128 : i32
      %dma_start3A_1449 = arith.constant 0 : i32
      %dma_start3A_1450 = arith.constant 0 : i32
      %dma_start3A_1451 = tpu.memref_slice %arg1[%dma_start3A_1448, %dma_start3A_1449, %dma_start3A_1450] : memref<2048x16x512xf32, #tpu.memory_space<any>> -> memref<128x16x512xf32, #tpu.memory_space<any>>
      tpu.enqueue_dma source(%dma_start3A_1451 : memref<128x16x512xf32, #tpu.memory_space<any>>) target(%dma_start3A_1447 : memref<128x16x512xf32, #tpu.memory_space<vmem>>) target_semaphore(%dma_start3A_1442 : memref<!tpu.dma_semaphore, #tpu.memory_space<semaphore_mem>>)
      %broadcast_in_dim3A_1452 = arith.constant 0.000000e+00 : f32
      %broadcast_in_dim3A_1453 = vector.broadcast %broadcast_in_dim3A_1452 : f32 to vector<16x512xf32>
      %swap3A_1454 = arith.constant 0 : index
      %swap3A_1455 = arith.constant 0 : index
      %swap3A_1456 = vector.load %arg9[%swap3A_1454, %swap3A_1455] : memref<16x512xf32, #tpu.memory_space<vmem>>, vector<16x512xf32>
      tpu.vector_store %arg9[%swap3A_1454, %swap3A_1455], %broadcast_in_dim3A_1453 {strides = array<i32>} : memref<16x512xf32, #tpu.memory_space<vmem>>, vector<16x512xf32>,
    } else {
    }
    %add3A = arith.constant 2 : i32
    %add3A_2 = arith.addi %arg0, %add3A : i32
    %lt3A = arith.constant 16 : i32
    %lt3A_3 = arith.cmpi slt, %add3A_2, %lt3A : i32
    %convert_element_type3A_4 = arith.extui %lt3A_3 : i1 to i32
    %cond3A_5 = arith.constant 0 : i32
    %cond3A_6 = arith.cmpi ne, %convert_element_type3A_4, %cond3A_5 : i32
    scf.if %cond3A_6 {
      %add3A_1427 = arith.constant 2 : i32
      %add3A_1428 = arith.addi %arg0, %add3A_1427 : i32
      %mul3A_1429 = arith.constant 128 : i32
      %mul3A_1430 = arith.muli %add3A_1428, %mul3A_1429 : i32
      %jit3A_1431 = arith.constant 3 : i32
      %eq3A_1432 = arith.constant 0 : i32
      %eq3A_1433 = arith.cmpi eq, %jit3A_1431, %eq3A_1432 : i32
      %jit3A_1434 = arith.constant 1 : i32
      %select_n3A_1435 = arith.select %eq3A_1433, %jit3A_1434, %jit3A_1431 : i32
      %rem3A_1436 = arith.remsi %add3A_1428, %select_n3A_1435 : i32
      %ne3A_1437 = arith.constant 0 : i32
      %ne3A_1438 = arith.cmpi ne, %rem3A_1436, %ne3A_1437 : i32
      %lt3A_1439 = arith.constant 0 : i32
      %lt3A_1440 = arith.cmpi slt, %rem3A_1436, %lt3A_1439 : i32
      %lt3A_1441 = arith.constant 0 : i32
      %lt3A_1442 = arith.cmpi slt, %select_n3A_1435, %lt3A_1441 : i32
      %ne3A_1443 = arith.xori %lt3A_1440, %lt3A_1442 : i1
      %and3A_1444 = arith.andi %ne3A_1443, %ne3A_1438 : i1
      %add3A_1445 = arith.addi %rem3A_1436, %select_n3A_1435 : i32
      %select_n3A_1446 = arith.select %and3A_1444, %add3A_1445, %rem3A_1436 : i32
      %jit3A_1447 = arith.constant 3 : i32
      %eq3A_1448 = arith.constant 0 : i32
      %eq3A_1449 = arith.cmpi eq, %jit3A_1447, %eq3A_1448 : i32
      %jit3A_1450 = arith.constant 1 : i32
      %select_n3A_1451 = arith.select %eq3A_1449, %jit3A_1450, %jit3A_1447 : i32
      %rem3A_1452 = arith.remsi %add3A_1428, %select_n3A_1451 : i32
      %ne3A_1453 = arith.constant 0 : i32
      %ne3A_1454 = arith.cmpi ne, %rem3A_1452, %ne3A_1453 : i32
      %lt3A_1455 = arith.constant 0 : i32
      %lt3A_1456 = arith.cmpi slt, %rem3A_1452, %lt3A_1455 : i32
      %lt3A_1457 = arith.constant 0 : i32
      %lt3A_1458 = arith.cmpi slt, %select_n3A_1451, %lt3A_1457 : i32
      %ne3A_1459 = arith.xori %lt3A_1456, %lt3A_1458 : i1
      %and3A_1460 = arith.andi %ne3A_1459, %ne3A_1454 : i1
      %add3A_1461 = arith.addi %rem3A_1452, %select_n3A_1451 : i32
      %select_n3A_1462 = arith.select %and3A_1460, %add3A_1461, %rem3A_1452 : i32
      %dma_start3A = tpu.memref_slice %arg8[%select_n3A_1462] : memref<3x!tpu.dma_semaphore, #tpu.memory_space<semaphore_mem>> -> memref<1x!tpu.dma_semaphore, #tpu.memory_space<semaphore_mem>>
      %dma_start3A_1463 = tpu.memref_squeeze %dma_start3A : memref<1x!tpu.dma_semaphore, #tpu.memory_space<semaphore_mem>> -> memref<!tpu.dma_semaphore, #tpu.memory_space<semaphore_mem>>
      %dma_start3A_1464 = arith.constant 0 : i32
      %dma_start3A_1465 = arith.constant 0 : i32
      %dma_start3A_1466 = arith.constant 0 : i32
      %dma_start3A_1467 = tpu.memref_slice %arg7[%select_n3A_1446, %dma_start3A_1464, %dma_start3A_1465, %dma_start3A_1466] : memref<3x128x16x512xf32, #tpu.memory_space<vmem>> -> memref<1x128x16x512xf32, #tpu.memory_space<vmem>>
      %dma_start3A_1468 = tpu.memref_squeeze %dma_start3A_1467 : memref<1x128x16x512xf32, #tpu.memory_space<vmem>> -> memref<128x16x512xf32, #tpu.memory_space<vmem>>
      %dma_start3A_1469 = arith.constant 0 : i32
      %dma_start3A_1470 = arith.constant 0 : i32
      %dma_start3A_1471 = tpu.memref_slice %arg1[%mul3A_1430, %dma_start3A_1469, %dma_start3A_1470] : memref<2048x16x512xf32, #tpu.memory_space<any>> -> memref<128x16x512xf32, #tpu.memory_space<any>>
      tpu.enqueue_dma source(%dma_start3A_1471 : memref<128x16x512xf32, #tpu.memory_space<any>>) target(%dma_start3A_1468 : memref<128x16x512xf32, #tpu.memory_space<vmem>>) target_semaphore(%dma_start3A_1463 : memref<!tpu.dma_semaphore, #tpu.memory_space<semaphore_mem>>)
    } else {
    }
    %mul3A = arith.constant 128 : i32
    %mul3A_7 = arith.muli %arg0, %mul3A : i32
    %jit3A = arith.constant 3 : i32
    %eq3A_8 = arith.constant 0 : i32
    %eq3A_9 = arith.cmpi eq, %jit3A, %eq3A_8 : i32
    %jit3A_10 = arith.constant 1 : i32
    %select_n3A = arith.select %eq3A_9, %jit3A_10, %jit3A : i32
    %rem3A = arith.remsi %arg0, %select_n3A : i32
    %ne3A = arith.constant 0 : i32
    %ne3A_11 = arith.cmpi ne, %rem3A, %ne3A : i32
    %lt3A_12 = arith.constant 0 : i32
    %lt3A_13 = arith.cmpi slt, %rem3A, %lt3A_12 : i32
    %lt3A_14 = arith.constant 0 : i32
    %lt3A_15 = arith.cmpi slt, %select_n3A, %lt3A_14 : i32
    %ne3A_16 = arith.xori %lt3A_13, %lt3A_15 : i1
    %and3A = arith.andi %ne3A_16, %ne3A_11 : i1
    %add3A_17 = arith.addi %rem3A, %select_n3A : i32
    %select_n3A_18 = arith.select %and3A, %add3A_17, %rem3A : i32
    %jit3A_19 = arith.constant 3 : i32
    %eq3A_20 = arith.constant 0 : i32
    %eq3A_21 = arith.cmpi eq, %jit3A_19, %eq3A_20 : i32
    %jit3A_22 = arith.constant 1 : i32
    %select_n3A_23 = arith.select %eq3A_21, %jit3A_22, %jit3A_19 : i32
    %rem3A_24 = arith.remsi %arg0, %select_n3A_23 : i32
    %ne3A_25 = arith.constant 0 : i32
    %ne3A_26 = arith.cmpi ne, %rem3A_24, %ne3A_25 : i32
    %lt3A_27 = arith.constant 0 : i32
    %lt3A_28 = arith.cmpi slt, %rem3A_24, %lt3A_27 : i32
    %lt3A_29 = arith.constant 0 : i32
    %lt3A_30 = arith.cmpi slt, %select_n3A_23, %lt3A_29 : i32
    %ne3A_31 = arith.xori %lt3A_28, %lt3A_30 : i1
    %and3A_32 = arith.andi %ne3A_31, %ne3A_26 : i1
    %add3A_33 = arith.addi %rem3A_24, %select_n3A_23 : i32
    %select_n3A_34 = arith.select %and3A_32, %add3A_33, %rem3A_24 : i32
    %dma_wait3A = tpu.memref_slice %arg8[%select_n3A_34] : memref<3x!tpu.dma_semaphore, #tpu.memory_space<semaphore_mem>> -> memref<1x!tpu.dma_semaphore, #tpu.memory_space<semaphore_mem>>
    %dma_wait3A_35 = tpu.memref_squeeze %dma_wait3A : memref<1x!tpu.dma_semaphore, #tpu.memory_space<semaphore_mem>> -> memref<!tpu.dma_semaphore, #tpu.memory_space<semaphore_mem>>
    %dma_wait3A_36 = arith.constant 0 : i32
    %dma_wait3A_37 = arith.constant 0 : i32
    %dma_wait3A_38 = arith.constant 0 : i32
    %dma_wait3A_39 = tpu.memref_slice %arg7[%select_n3A_18, %dma_wait3A_36, %dma_wait3A_37, %dma_wait3A_38] : memref<3x128x16x512xf32, #tpu.memory_space<vmem>> -> memref<1x128x16x512xf32, #tpu.memory_space<vmem>>
    %dma_wait3A_40 = tpu.memref_squeeze %dma_wait3A_39 : memref<1x128x16x512xf32, #tpu.memory_space<vmem>> -> memref<128x16x512xf32, #tpu.memory_space<vmem>>
    %dma_wait3A_41 = arith.constant 0 : i32
    %dma_wait3A_42 = arith.constant 0 : i32
    %dma_wait3A_43 = tpu.memref_slice %arg1[%mul3A_7, %dma_wait3A_41, %dma_wait3A_42] : memref<2048x16x512xf32, #tpu.memory_space<any>> -> memref<128x16x512xf32, #tpu.memory_space<any>>
    tpu.wait_dma2 semaphore(%dma_wait3A_35 : memref<!tpu.dma_semaphore, #tpu.memory_space<semaphore_mem>>) src(%dma_wait3A_43 : memref<128x16x512xf32, #tpu.memory_space<any>>) dst(%dma_wait3A_40 : memref<128x16x512xf32, #tpu.memory_space<vmem>>)
    %jit3A_44 = arith.constant 3 : i32
    %eq3A_45 = arith.constant 0 : i32
    %eq3A_46 = arith.cmpi eq, %jit3A_44, %eq3A_45 : i32
    %jit3A_47 = arith.constant 1 : i32
    %select_n3A_48 = arith.select %eq3A_46, %jit3A_47, %jit3A_44 : i32
    %rem3A_49 = arith.remsi %arg0, %select_n3A_48 : i32
    %ne3A_50 = arith.constant 0 : i32
    %ne3A_51 = arith.cmpi ne, %rem3A_49, %ne3A_50 : i32
    %lt3A_52 = arith.constant 0 : i32
    %lt3A_53 = arith.cmpi slt, %rem3A_49, %lt3A_52 : i32
    %lt3A_54 = arith.constant 0 : i32
    %lt3A_55 = arith.cmpi slt, %select_n3A_48, %lt3A_54 : i32
    %ne3A_56 = arith.xori %lt3A_53, %lt3A_55 : i1
    %and3A_57 = arith.andi %ne3A_56, %ne3A_51 : i1
    %add3A_58 = arith.addi %rem3A_49, %select_n3A_48 : i32
    %select_n3A_59 = arith.select %and3A_57, %add3A_58, %rem3A_49 : i32
    %get3A = arith.constant 0 : index
    %get3A_60 = arith.constant 0 : index
    %get3A_61 = vector.load %arg2[%get3A, %get3A_60] : memref<128x16xf32, #tpu.memory_space<vmem>>, vector<128x16xf32>
    %get3A_62 = arith.constant 0 : index
    %get3A_63 = arith.constant 0 : index
    %get3A_64 = vector.load %arg3[%get3A_62, %get3A_63] : memref<128x16xf32, #tpu.memory_space<vmem>>, vector<128x16xf32>
    %get3A_65 = arith.constant 0 : index
    %get3A_66 = arith.constant 0 : index
    %get3A_67 = vector.load %arg4[%get3A_65, %get3A_66] : memref<128x16xf32, #tpu.memory_space<vmem>>, vector<128x16xf32>
    %iota3A = tpu.iota {dimensions = array<i32: 1>} : vector<1x16xi32>
    %iota3A_68 = tpu.iota {dimensions = array<i32: 0>} : vector<128x1xi32>
    %iota3A_69 = tpu.iota {dimensions = array<i32: 1>} : vector<1x128xi32>
    %lt3A_70 = vector.broadcast %iota3A_69 : vector<1x128xi32> to vector<128x128xi32>
    %lt3A_71 = vector.broadcast %iota3A_68 : vector<128x1xi32> to vector<128x128xi32>
    %lt3A_72 = arith.cmpi slt, %lt3A_70, %lt3A_71 : vector<128x128xi32>
    %get3A_73 = arith.index_cast %select_n3A_59 : i32 to index
    %get3A_74 = arith.constant 0 : index
    %get3A_75 = arith.constant 0 : index
    %get3A_76 = arith.constant 0 : index
    %get3A_77 = vector.load %arg7[%get3A_73, %get3A_74, %get3A_75, %get3A_76] : memref<3x128x16x512xf32, #tpu.memory_space<vmem>>, vector<1x128x1x512xf32>
    %get3A_78 = vector.shape_cast %get3A_77 : vector<1x128x1x512xf32> to vector<128x512xf32>
    %eq3A_79 = arith.constant 0 : i32
    %eq3A_80 = vector.broadcast %eq3A_79 : i32 to vector<1x16xi32>
    %eq3A_81 = arith.cmpi eq, %iota3A, %eq3A_80 : vector<1x16xi32>
    %convert_element_type3A_82 = arith.extui %eq3A_81 : vector<1x16xi1> to vector<1x16xi32>
    %convert_element_type3A_83 = arith.sitofp %convert_element_type3A_82 : vector<1x16xi32> to vector<1x16xf32>
    %mul3A_84 = vector.broadcast %convert_element_type3A_83 : vector<1x16xf32> to vector<128x16xf32>
    %mul3A_85 = arith.mulf %get3A_61, %mul3A_84 : vector<128x16xf32>
    %reduce_sum3A = arith.constant dense<0.000000e+00> : vector<128xf32>
    %reduce_sum3A_86 = vector.multi_reduction <add>, %mul3A_85, %reduce_sum3A [1] : vector<128x16xf32> to vector<128xf32>
    %broadcast_in_dim3A = vector.shape_cast %reduce_sum3A_86 : vector<128xf32> to vector<128x1xf32>
    %mul3A_87 = vector.broadcast %convert_element_type3A_83 : vector<1x16xf32> to vector<128x16xf32>
    %mul3A_88 = arith.mulf %get3A_64, %mul3A_87 : vector<128x16xf32>
    %reduce_sum3A_89 = arith.constant dense<0.000000e+00> : vector<128xf32>
    %reduce_sum3A_90 = vector.multi_reduction <add>, %mul3A_88, %reduce_sum3A_89 [1] : vector<128x16xf32> to vector<128xf32>
    %broadcast_in_dim3A_91 = vector.shape_cast %reduce_sum3A_90 : vector<128xf32> to vector<128x1xf32>
    %mul3A_92 = vector.broadcast %convert_element_type3A_83 : vector<1x16xf32> to vector<128x16xf32>
    %mul3A_93 = arith.mulf %get3A_67, %mul3A_92 : vector<128x16xf32>
    %reduce_sum3A_94 = arith.constant dense<0.000000e+00> : vector<128xf32>
    %reduce_sum3A_95 = vector.multi_reduction <add>, %mul3A_93, %reduce_sum3A_94 [1] : vector<128x16xf32> to vector<128xf32>
    %broadcast_in_dim3A_96 = vector.shape_cast %reduce_sum3A_95 : vector<128xf32> to vector<128x1xf32>
    %get3A_97 = arith.constant 0 : index
    %get3A_98 = arith.constant 0 : index
    %get3A_99 = arith.constant 0 : index
    %get3A_100 = vector.load %arg5[%get3A_97, %get3A_98, %get3A_99] : memref<1x16x128xf32, #tpu.memory_space<vmem>>, vector<1x1x128xf32>
    %get3A_101 = vector.shape_cast %get3A_100 : vector<1x1x128xf32> to vector<1x128xf32>
    %eq3A_102 = vector.broadcast %broadcast_in_dim3A_96 : vector<128x1xf32> to vector<128x128xf32>
    %eq3A_103 = vector.broadcast %get3A_101 : vector<1x128xf32> to vector<128x128xf32>
    %eq3A_104 = arith.cmpf oeq, %eq3A_102, %eq3A_103 : vector<128x128xf32>
    %and3A_105 = arith.andi %lt3A_72, %eq3A_104 : vector<128x128xi1>
    %convert_element_type3A_106 = arith.extui %and3A_105 : vector<128x128xi1> to vector<128x128xi32>
    %convert_element_type3A_107 = arith.sitofp %convert_element_type3A_106 : vector<128x128xi32> to vector<128x128xf32>
    %mul3A_108 = vector.broadcast %broadcast_in_dim3A : vector<128x1xf32> to vector<128x512xf32>
    %mul3A_109 = arith.mulf %mul3A_108, %get3A_78 : vector<128x512xf32>
    %dot_general3A = arith.constant dense<0.000000e+00> : vector<128x512xf32>
    %dot_general3A_110 = tpu.matmul %convert_element_type3A_107, %mul3A_109, %dot_general3A {dimension_numbers = #tpu.dot_dimension_numbers<[1], [0], [0], [1], [0, 0, 1, 1], [], []>, transpose_lhs_hint = false} : vector<128x128xf32>, vector<128x512xf32>, vector<128x512xf32> -> vector<128x512xf32>
    %slice3A = vector.extract_strided_slice %broadcast_in_dim3A_96 {offsets = [0, 0], sizes = [1, 1], strides = [1, 1]} : vector<128x1xf32> to vector<1x1xf32>
    %eq3A_111 = vector.broadcast %slice3A : vector<1x1xf32> to vector<128x1xf32>
    %eq3A_112 = arith.cmpf oeq, %broadcast_in_dim3A_96, %eq3A_111 : vector<128x1xf32>
    %convert_element_type3A_113 = arith.extui %eq3A_112 : vector<128x1xi1> to vector<128x1xi32>
    %convert_element_type3A_114 = arith.sitofp %convert_element_type3A_113 : vector<128x1xi32> to vector<128x1xf32>
    %get3A_115 = arith.constant 0 : index
    %get3A_116 = arith.constant 0 : index
    %get3A_117 = vector.load %arg9[%get3A_115, %get3A_116] : memref<16x512xf32, #tpu.memory_space<vmem>>, vector<1x512xf32>
    %mul3A_118 = vector.broadcast %convert_element_type3A_114 : vector<128x1xf32> to vector<128x512xf32>
    %mul3A_119 = vector.broadcast %get3A_117 : vector<1x512xf32> to vector<128x512xf32>
    %mul3A_120 = arith.mulf %mul3A_118, %mul3A_119 : vector<128x512xf32>
    %add3A_121 = arith.addf %dot_general3A_110, %mul3A_120 : vector<128x512xf32>
    %gt3A = arith.constant 0.000000e+00 : f32
    %gt3A_122 = vector.broadcast %gt3A : f32 to vector<128x1xf32>
    %gt3A_123 = arith.cmpf ogt, %broadcast_in_dim3A_91, %gt3A_122 : vector<128x1xf32>
    %convert_element_type3A_124 = arith.extui %gt3A_123 : vector<128x1xi1> to vector<128x1xi32>
    %convert_element_type3A_125 = arith.sitofp %convert_element_type3A_124 : vector<128x1xi32> to vector<128x1xf32>
    %mul3A_126 = vector.broadcast %convert_element_type3A_125 : vector<128x1xf32> to vector<128x512xf32>
    %mul3A_127 = arith.mulf %mul3A_126, %add3A_121 : vector<128x512xf32>
    %mul3A_128 = vector.broadcast %broadcast_in_dim3A_91 : vector<128x1xf32> to vector<128x512xf32>
    %mul3A_129 = arith.mulf %mul3A_128, %get3A_78 : vector<128x512xf32>
    %add3A_130 = arith.addf %mul3A_127, %mul3A_129 : vector<128x512xf32>
    %swap3A = arith.constant 0 : index
    %swap3A_131 = arith.constant 0 : index
    %swap3A_132 = arith.constant 0 : index
    %swap3A_133 = vector.load %arg6[%swap3A, %swap3A_131, %swap3A_132] : memref<16x128x512xf32, #tpu.memory_space<vmem>>, vector<1x128x512xf32>
    %swap3A_134 = vector.shape_cast %swap3A_133 : vector<1x128x512xf32> to vector<128x512xf32>
    %swap3A_135 = vector.shape_cast %add3A_130 : vector<128x512xf32> to vector<1x128x512xf32>
    tpu.vector_store %arg6[%swap3A, %swap3A_131, %swap3A_132], %swap3A_135 {strides = array<i32>} : memref<16x128x512xf32, #tpu.memory_space<vmem>>, vector<1x128x512xf32>,
    %slice3A_136 = vector.extract_strided_slice %get3A_101 {offsets = [0, 127], sizes = [1, 1], strides = [1, 1]} : vector<1x128xf32> to vector<1x1xf32>
    %eq3A_137 = vector.broadcast %slice3A_136 : vector<1x1xf32> to vector<1x128xf32>
    %eq3A_138 = arith.cmpf oeq, %get3A_101, %eq3A_137 : vector<1x128xf32>
    %convert_element_type3A_139 = arith.extui %eq3A_138 : vector<1x128xi1> to vector<1x128xi32>
    %convert_element_type3A_140 = arith.sitofp %convert_element_type3A_139 : vector<1x128xi32> to vector<1x128xf32>
    %dot_general3A_141 = arith.constant dense<0.000000e+00> : vector<1x512xf32>
    %dot_general3A_142 = tpu.matmul %convert_element_type3A_140, %mul3A_109, %dot_general3A_141 {dimension_numbers = #tpu.dot_dimension_numbers<[1], [0], [0], [1], [0, 0, 1, 1], [], []>, transpose_lhs_hint = false} : vector<1x128xf32>, vector<128x512xf32>, vector<1x512xf32> -> vector<1x512xf32>
    %eq3A_143 = arith.cmpf oeq, %slice3A_136, %slice3A : vector<1x1xf32>
    %convert_element_type3A_144 = arith.extui %eq3A_143 : vector<1x1xi1> to vector<1x1xi32>
    %convert_element_type3A_145 = arith.sitofp %convert_element_type3A_144 : vector<1x1xi32> to vector<1x1xf32>
    %mul3A_146 = vector.broadcast %convert_element_type3A_145 : vector<1x1xf32> to vector<1x512xf32>
    %mul3A_147 = arith.mulf %mul3A_146, %get3A_117 : vector<1x512xf32>
    %add3A_148 = arith.addf %dot_general3A_142, %mul3A_147 : vector<1x512xf32>
    %swap3A_149 = arith.constant 0 : index
    %swap3A_150 = arith.constant 0 : index
    %swap3A_151 = vector.load %arg9[%swap3A_149, %swap3A_150] : memref<16x512xf32, #tpu.memory_space<vmem>>, vector<1x512xf32>
    tpu.vector_store %arg9[%swap3A_149, %swap3A_150], %add3A_148 {strides = array<i32>} : memref<16x512xf32, #tpu.memory_space<vmem>>, vector<1x512xf32>,
    %get3A_152 = arith.index_cast %select_n3A_59 : i32 to index
    %get3A_153 = arith.constant 0 : index
    %get3A_154 = arith.constant 1 : index
    %get3A_155 = arith.constant 0 : index
    %get3A_156 = vector.load %arg7[%get3A_152, %get3A_153, %get3A_154, %get3A_155] : memref<3x128x16x512xf32, #tpu.memory_space<vmem>>, vector<1x128x1x512xf32>
    %get3A_157 = vector.shape_cast %get3A_156 : vector<1x128x1x512xf32> to vector<128x512xf32>
    %eq3A_158 = arith.constant 1 : i32
    %eq3A_159 = vector.broadcast %eq3A_158 : i32 to vector<1x16xi32>
    %eq3A_160 = arith.cmpi eq, %iota3A, %eq3A_159 : vector<1x16xi32>
    %convert_element_type3A_161 = arith.extui %eq3A_160 : vector<1x16xi1> to vector<1x16xi32>
    %convert_element_type3A_162 = arith.sitofp %convert_element_type3A_161 : vector<1x16xi32> to vector<1x16xf32>
    %mul3A_163 = vector.broadcast %convert_element_type3A_162 : vector<1x16xf32> to vector<128x16xf32>
    %mul3A_164 = arith.mulf %get3A_61, %mul3A_163 : vector<128x16xf32>
    %reduce_sum3A_165 = arith.constant dense<0.000000e+00> : vector<128xf32>
    %reduce_sum3A_166 = vector.multi_reduction <add>, %mul3A_164, %reduce_sum3A_165 [1] : vector<128x16xf32> to vector<128xf32>
    %broadcast_in_dim3A_167 = vector.shape_cast %reduce_sum3A_166 : vector<128xf32> to vector<128x1xf32>
    %mul3A_168 = vector.broadcast %convert_element_type3A_162 : vector<1x16xf32> to vector<128x16xf32>
    %mul3A_169 = arith.mulf %get3A_64, %mul3A_168 : vector<128x16xf32>
    %reduce_sum3A_170 = arith.constant dense<0.000000e+00> : vector<128xf32>
    %reduce_sum3A_171 = vector.multi_reduction <add>, %mul3A_169, %reduce_sum3A_170 [1] : vector<128x16xf32> to vector<128xf32>
    %broadcast_in_dim3A_172 = vector.shape_cast %reduce_sum3A_171 : vector<128xf32> to vector<128x1xf32>
    %mul3A_173 = vector.broadcast %convert_element_type3A_162 : vector<1x16xf32> to vector<128x16xf32>
    %mul3A_174 = arith.mulf %get3A_67, %mul3A_173 : vector<128x16xf32>
    %reduce_sum3A_175 = arith.constant dense<0.000000e+00> : vector<128xf32>
    %reduce_sum3A_176 = vector.multi_reduction <add>, %mul3A_174, %reduce_sum3A_175 [1] : vector<128x16xf32> to vector<128xf32>
    %broadcast_in_dim3A_177 = vector.shape_cast %reduce_sum3A_176 : vector<128xf32> to vector<128x1xf32>
    %get3A_178 = arith.constant 0 : index
    %get3A_179 = arith.constant 1 : index
    %get3A_180 = arith.constant 0 : index
    %get3A_181 = vector.load %arg5[%get3A_178, %get3A_179, %get3A_180] : memref<1x16x128xf32, #tpu.memory_space<vmem>>, vector<1x1x128xf32>
    %get3A_182 = vector.shape_cast %get3A_181 : vector<1x1x128xf32> to vector<1x128xf32>
    %eq3A_183 = vector.broadcast %broadcast_in_dim3A_177 : vector<128x1xf32> to vector<128x128xf32>
    %eq3A_184 = vector.broadcast %get3A_182 : vector<1x128xf32> to vector<128x128xf32>
    %eq3A_185 = arith.cmpf oeq, %eq3A_183, %eq3A_184 : vector<128x128xf32>
    %and3A_186 = arith.andi %lt3A_72, %eq3A_185 : vector<128x128xi1>
    %convert_element_type3A_187 = arith.extui %and3A_186 : vector<128x128xi1> to vector<128x128xi32>
    %convert_element_type3A_188 = arith.sitofp %convert_element_type3A_187 : vector<128x128xi32> to vector<128x128xf32>
    %mul3A_189 = vector.broadcast %broadcast_in_dim3A_167 : vector<128x1xf32> to vector<128x512xf32>
    %mul3A_190 = arith.mulf %mul3A_189, %get3A_157 : vector<128x512xf32>
    %dot_general3A_191 = arith.constant dense<0.000000e+00> : vector<128x512xf32>
    %dot_general3A_192 = tpu.matmul %convert_element_type3A_188, %mul3A_190, %dot_general3A_191 {dimension_numbers = #tpu.dot_dimension_numbers<[1], [0], [0], [1], [0, 0, 1, 1], [], []>, transpose_lhs_hint = false} : vector<128x128xf32>, vector<128x512xf32>, vector<128x512xf32> -> vector<128x512xf32>
    %slice3A_193 = vector.extract_strided_slice %broadcast_in_dim3A_177 {offsets = [0, 0], sizes = [1, 1], strides = [1, 1]} : vector<128x1xf32> to vector<1x1xf32>
    %eq3A_194 = vector.broadcast %slice3A_193 : vector<1x1xf32> to vector<128x1xf32>
    %eq3A_195 = arith.cmpf oeq, %broadcast_in_dim3A_177, %eq3A_194 : vector<128x1xf32>
    %convert_element_type3A_196 = arith.extui %eq3A_195 : vector<128x1xi1> to vector<128x1xi32>
    %convert_element_type3A_197 = arith.sitofp %convert_element_type3A_196 : vector<128x1xi32> to vector<128x1xf32>
    %get3A_198 = arith.constant 1 : index
    %get3A_199 = arith.constant 0 : index
    %get3A_200 = vector.load %arg9[%get3A_198, %get3A_199] : memref<16x512xf32, #tpu.memory_space<vmem>>, vector<1x512xf32>
    %mul3A_201 = vector.broadcast %convert_element_type3A_197 : vector<128x1xf32> to vector<128x512xf32>
    %mul3A_202 = vector.broadcast %get3A_200 : vector<1x512xf32> to vector<128x512xf32>
    %mul3A_203 = arith.mulf %mul3A_201, %mul3A_202 : vector<128x512xf32>
    %add3A_204 = arith.addf %dot_general3A_192, %mul3A_203 : vector<128x512xf32>
    %gt3A_205 = arith.constant 0.000000e+00 : f32
    %gt3A_206 = vector.broadcast %gt3A_205 : f32 to vector<128x1xf32>
    %gt3A_207 = arith.cmpf ogt, %broadcast_in_dim3A_172, %gt3A_206 : vector<128x1xf32>
    %convert_element_type3A_208 = arith.extui %gt3A_207 : vector<128x1xi1> to vector<128x1xi32>
    %convert_element_type3A_209 = arith.sitofp %convert_element_type3A_208 : vector<128x1xi32> to vector<128x1xf32>
    %mul3A_210 = vector.broadcast %convert_element_type3A_209 : vector<128x1xf32> to vector<128x512xf32>
    %mul3A_211 = arith.mulf %mul3A_210, %add3A_204 : vector<128x512xf32>
    %mul3A_212 = vector.broadcast %broadcast_in_dim3A_172 : vector<128x1xf32> to vector<128x512xf32>
    %mul3A_213 = arith.mulf %mul3A_212, %get3A_157 : vector<128x512xf32>
    %add3A_214 = arith.addf %mul3A_211, %mul3A_213 : vector<128x512xf32>
    %swap3A_215 = arith.constant 1 : index
    %swap3A_216 = arith.constant 0 : index
    %swap3A_217 = arith.constant 0 : index
    %swap3A_218 = vector.load %arg6[%swap3A_215, %swap3A_216, %swap3A_217] : memref<16x128x512xf32, #tpu.memory_space<vmem>>, vector<1x128x512xf32>
    %swap3A_219 = vector.shape_cast %swap3A_218 : vector<1x128x512xf32> to vector<128x512xf32>
    %swap3A_220 = vector.shape_cast %add3A_214 : vector<128x512xf32> to vector<1x128x512xf32>
    tpu.vector_store %arg6[%swap3A_215, %swap3A_216, %swap3A_217], %swap3A_220 {strides = array<i32>} : memref<16x128x512xf32, #tpu.memory_space<vmem>>, vector<1x128x512xf32>,
    %slice3A_221 = vector.extract_strided_slice %get3A_182 {offsets = [0, 127], sizes = [1, 1], strides = [1, 1]} : vector<1x128xf32> to vector<1x1xf32>
    %eq3A_222 = vector.broadcast %slice3A_221 : vector<1x1xf32> to vector<1x128xf32>
    %eq3A_223 = arith.cmpf oeq, %get3A_182, %eq3A_222 : vector<1x128xf32>
    %convert_element_type3A_224 = arith.extui %eq3A_223 : vector<1x128xi1> to vector<1x128xi32>
    %convert_element_type3A_225 = arith.sitofp %convert_element_type3A_224 : vector<1x128xi32> to vector<1x128xf32>
    %dot_general3A_226 = arith.constant dense<0.000000e+00> : vector<1x512xf32>
    %dot_general3A_227 = tpu.matmul %convert_element_type3A_225, %mul3A_190, %dot_general3A_226 {dimension_numbers = #tpu.dot_dimension_numbers<[1], [0], [0], [1], [0, 0, 1, 1], [], []>, transpose_lhs_hint = false} : vector<1x128xf32>, vector<128x512xf32>, vector<1x512xf32> -> vector<1x512xf32>
    %eq3A_228 = arith.cmpf oeq, %slice3A_221, %slice3A_193 : vector<1x1xf32>
    %convert_element_type3A_229 = arith.extui %eq3A_228 : vector<1x1xi1> to vector<1x1xi32>
    %convert_element_type3A_230 = arith.sitofp %convert_element_type3A_229 : vector<1x1xi32> to vector<1x1xf32>
    %mul3A_231 = vector.broadcast %convert_element_type3A_230 : vector<1x1xf32> to vector<1x512xf32>
    %mul3A_232 = arith.mulf %mul3A_231, %get3A_200 : vector<1x512xf32>
    %add3A_233 = arith.addf %dot_general3A_227, %mul3A_232 : vector<1x512xf32>
    %swap3A_234 = arith.constant 1 : index
    %swap3A_235 = arith.constant 0 : index
    %swap3A_236 = vector.load %arg9[%swap3A_234, %swap3A_235] : memref<16x512xf32, #tpu.memory_space<vmem>>, vector<1x512xf32>
    tpu.vector_store %arg9[%swap3A_234, %swap3A_235], %add3A_233 {strides = array<i32>} : memref<16x512xf32, #tpu.memory_space<vmem>>, vector<1x512xf32>,
    %get3A_237 = arith.index_cast %select_n3A_59 : i32 to index
    %get3A_238 = arith.constant 0 : index
    %get3A_239 = arith.constant 2 : index
    %get3A_240 = arith.constant 0 : index
    %get3A_241 = vector.load %arg7[%get3A_237, %get3A_238, %get3A_239, %get3A_240] : memref<3x128x16x512xf32, #tpu.memory_space<vmem>>, vector<1x128x1x512xf32>
    %get3A_242 = vector.shape_cast %get3A_241 : vector<1x128x1x512xf32> to vector<128x512xf32>
    %eq3A_243 = arith.constant 2 : i32
    %eq3A_244 = vector.broadcast %eq3A_243 : i32 to vector<1x16xi32>
    %eq3A_245 = arith.cmpi eq, %iota3A, %eq3A_244 : vector<1x16xi32>
    %convert_element_type3A_246 = arith.extui %eq3A_245 : vector<1x16xi1> to vector<1x16xi32>
    %convert_element_type3A_247 = arith.sitofp %convert_element_type3A_246 : vector<1x16xi32> to vector<1x16xf32>
    %mul3A_248 = vector.broadcast %convert_element_type3A_247 : vector<1x16xf32> to vector<128x16xf32>
    %mul3A_249 = arith.mulf %get3A_61, %mul3A_248 : vector<128x16xf32>
    %reduce_sum3A_250 = arith.constant dense<0.000000e+00> : vector<128xf32>
    %reduce_sum3A_251 = vector.multi_reduction <add>, %mul3A_249, %reduce_sum3A_250 [1] : vector<128x16xf32> to vector<128xf32>
    %broadcast_in_dim3A_252 = vector.shape_cast %reduce_sum3A_251 : vector<128xf32> to vector<128x1xf32>
    %mul3A_253 = vector.broadcast %convert_element_type3A_247 : vector<1x16xf32> to vector<128x16xf32>
    %mul3A_254 = arith.mulf %get3A_64, %mul3A_253 : vector<128x16xf32>
    %reduce_sum3A_255 = arith.constant dense<0.000000e+00> : vector<128xf32>
    %reduce_sum3A_256 = vector.multi_reduction <add>, %mul3A_254, %reduce_sum3A_255 [1] : vector<128x16xf32> to vector<128xf32>
    %broadcast_in_dim3A_257 = vector.shape_cast %reduce_sum3A_256 : vector<128xf32> to vector<128x1xf32>
    %mul3A_258 = vector.broadcast %convert_element_type3A_247 : vector<1x16xf32> to vector<128x16xf32>
    %mul3A_259 = arith.mulf %get3A_67, %mul3A_258 : vector<128x16xf32>
    %reduce_sum3A_260 = arith.constant dense<0.000000e+00> : vector<128xf32>
    %reduce_sum3A_261 = vector.multi_reduction <add>, %mul3A_259, %reduce_sum3A_260 [1] : vector<128x16xf32> to vector<128xf32>
    %broadcast_in_dim3A_262 = vector.shape_cast %reduce_sum3A_261 : vector<128xf32> to vector<128x1xf32>
    %get3A_263 = arith.constant 0 : index
    %get3A_264 = arith.constant 2 : index
    %get3A_265 = arith.constant 0 : index
    %get3A_266 = vector.load %arg5[%get3A_263, %get3A_264, %get3A_265] : memref<1x16x128xf32, #tpu.memory_space<vmem>>, vector<1x1x128xf32>
    %get3A_267 = vector.shape_cast %get3A_266 : vector<1x1x128xf32> to vector<1x128xf32>
    %eq3A_268 = vector.broadcast %broadcast_in_dim3A_262 : vector<128x1xf32> to vector<128x128xf32>
    %eq3A_269 = vector.broadcast %get3A_267 : vector<1x128xf32> to vector<128x128xf32>
    %eq3A_270 = arith.cmpf oeq, %eq3A_268, %eq3A_269 : vector<128x128xf32>
    %and3A_271 = arith.andi %lt3A_72, %eq3A_270 : vector<128x128xi1>
    %convert_element_type3A_272 = arith.extui %and3A_271 : vector<128x128xi1> to vector<128x128xi32>
    %convert_element_type3A_273 = arith.sitofp %convert_element_type3A_272 : vector<128x128xi32> to vector<128x128xf32>
    %mul3A_274 = vector.broadcast %broadcast_in_dim3A_252 : vector<128x1xf32> to vector<128x512xf32>
    %mul3A_275 = arith.mulf %mul3A_274, %get3A_242 : vector<128x512xf32>
    %dot_general3A_276 = arith.constant dense<0.000000e+00> : vector<128x512xf32>
    %dot_general3A_277 = tpu.matmul %convert_element_type3A_273, %mul3A_275, %dot_general3A_276 {dimension_numbers = #tpu.dot_dimension_numbers<[1], [0], [0], [1], [0, 0, 1, 1], [], []>, transpose_lhs_hint = false} : vector<128x128xf32>, vector<128x512xf32>, vector<128x512xf32> -> vector<128x512xf32>
    %slice3A_278 = vector.extract_strided_slice %broadcast_in_dim3A_262 {offsets = [0, 0], sizes = [1, 1], strides = [1, 1]} : vector<128x1xf32> to vector<1x1xf32>
    %eq3A_279 = vector.broadcast %slice3A_278 : vector<1x1xf32> to vector<128x1xf32>
    %eq3A_280 = arith.cmpf oeq, %broadcast_in_dim3A_262, %eq3A_279 : vector<128x1xf32>
    %convert_element_type3A_281 = arith.extui %eq3A_280 : vector<128x1xi1> to vector<128x1xi32>
    %convert_element_type3A_282 = arith.sitofp %convert_element_type3A_281 : vector<128x1xi32> to vector<128x1xf32>
    %get3A_283 = arith.constant 2 : index
    %get3A_284 = arith.constant 0 : index
    %get3A_285 = vector.load %arg9[%get3A_283, %get3A_284] : memref<16x512xf32, #tpu.memory_space<vmem>>, vector<1x512xf32>
    %mul3A_286 = vector.broadcast %convert_element_type3A_282 : vector<128x1xf32> to vector<128x512xf32>
    %mul3A_287 = vector.broadcast %get3A_285 : vector<1x512xf32> to vector<128x512xf32>
    %mul3A_288 = arith.mulf %mul3A_286, %mul3A_287 : vector<128x512xf32>
    %add3A_289 = arith.addf %dot_general3A_277, %mul3A_288 : vector<128x512xf32>
    %gt3A_290 = arith.constant 0.000000e+00 : f32
    %gt3A_291 = vector.broadcast %gt3A_290 : f32 to vector<128x1xf32>
    %gt3A_292 = arith.cmpf ogt, %broadcast_in_dim3A_257, %gt3A_291 : vector<128x1xf32>
    %convert_element_type3A_293 = arith.extui %gt3A_292 : vector<128x1xi1> to vector<128x1xi32>
    %convert_element_type3A_294 = arith.sitofp %convert_element_type3A_293 : vector<128x1xi32> to vector<128x1xf32>
    %mul3A_295 = vector.broadcast %convert_element_type3A_294 : vector<128x1xf32> to vector<128x512xf32>
    %mul3A_296 = arith.mulf %mul3A_295, %add3A_289 : vector<128x512xf32>
    %mul3A_297 = vector.broadcast %broadcast_in_dim3A_257 : vector<128x1xf32> to vector<128x512xf32>
    %mul3A_298 = arith.mulf %mul3A_297, %get3A_242 : vector<128x512xf32>
    %add3A_299 = arith.addf %mul3A_296, %mul3A_298 : vector<128x512xf32>
    %swap3A_300 = arith.constant 2 : index
    %swap3A_301 = arith.constant 0 : index
    %swap3A_302 = arith.constant 0 : index
    %swap3A_303 = vector.load %arg6[%swap3A_300, %swap3A_301, %swap3A_302] : memref<16x128x512xf32, #tpu.memory_space<vmem>>, vector<1x128x512xf32>
    %swap3A_304 = vector.shape_cast %swap3A_303 : vector<1x128x512xf32> to vector<128x512xf32>
    %swap3A_305 = vector.shape_cast %add3A_299 : vector<128x512xf32> to vector<1x128x512xf32>
    tpu.vector_store %arg6[%swap3A_300, %swap3A_301, %swap3A_302], %swap3A_305 {strides = array<i32>} : memref<16x128x512xf32, #tpu.memory_space<vmem>>, vector<1x128x512xf32>,
    %slice3A_306 = vector.extract_strided_slice %get3A_267 {offsets = [0, 127], sizes = [1, 1], strides = [1, 1]} : vector<1x128xf32> to vector<1x1xf32>
    %eq3A_307 = vector.broadcast %slice3A_306 : vector<1x1xf32> to vector<1x128xf32>
    %eq3A_308 = arith.cmpf oeq, %get3A_267, %eq3A_307 : vector<1x128xf32>
    %convert_element_type3A_309 = arith.extui %eq3A_308 : vector<1x128xi1> to vector<1x128xi32>
    %convert_element_type3A_310 = arith.sitofp %convert_element_type3A_309 : vector<1x128xi32> to vector<1x128xf32>
    %dot_general3A_311 = arith.constant dense<0.000000e+00> : vector<1x512xf32>
    %dot_general3A_312 = tpu.matmul %convert_element_type3A_310, %mul3A_275, %dot_general3A_311 {dimension_numbers = #tpu.dot_dimension_numbers<[1], [0], [0], [1], [0, 0, 1, 1], [], []>, transpose_lhs_hint = false} : vector<1x128xf32>, vector<128x512xf32>, vector<1x512xf32> -> vector<1x512xf32>
    %eq3A_313 = arith.cmpf oeq, %slice3A_306, %slice3A_278 : vector<1x1xf32>
    %convert_element_type3A_314 = arith.extui %eq3A_313 : vector<1x1xi1> to vector<1x1xi32>
    %convert_element_type3A_315 = arith.sitofp %convert_element_type3A_314 : vector<1x1xi32> to vector<1x1xf32>
    %mul3A_316 = vector.broadcast %convert_element_type3A_315 : vector<1x1xf32> to vector<1x512xf32>
    %mul3A_317 = arith.mulf %mul3A_316, %get3A_285 : vector<1x512xf32>
    %add3A_318 = arith.addf %dot_general3A_312, %mul3A_317 : vector<1x512xf32>
    %swap3A_319 = arith.constant 2 : index
    %swap3A_320 = arith.constant 0 : index
    %swap3A_321 = vector.load %arg9[%swap3A_319, %swap3A_320] : memref<16x512xf32, #tpu.memory_space<vmem>>, vector<1x512xf32>
    tpu.vector_store %arg9[%swap3A_319, %swap3A_320], %add3A_318 {strides = array<i32>} : memref<16x512xf32, #tpu.memory_space<vmem>>, vector<1x512xf32>,
    %get3A_322 = arith.index_cast %select_n3A_59 : i32 to index
    %get3A_323 = arith.constant 0 : index
    %get3A_324 = arith.constant 3 : index
    %get3A_325 = arith.constant 0 : index
    %get3A_326 = vector.load %arg7[%get3A_322, %get3A_323, %get3A_324, %get3A_325] : memref<3x128x16x512xf32, #tpu.memory_space<vmem>>, vector<1x128x1x512xf32>
    %get3A_327 = vector.shape_cast %get3A_326 : vector<1x128x1x512xf32> to vector<128x512xf32>
    %eq3A_328 = arith.constant 3 : i32
    %eq3A_329 = vector.broadcast %eq3A_328 : i32 to vector<1x16xi32>
    %eq3A_330 = arith.cmpi eq, %iota3A, %eq3A_329 : vector<1x16xi32>
    %convert_element_type3A_331 = arith.extui %eq3A_330 : vector<1x16xi1> to vector<1x16xi32>
    %convert_element_type3A_332 = arith.sitofp %convert_element_type3A_331 : vector<1x16xi32> to vector<1x16xf32>
    %mul3A_333 = vector.broadcast %convert_element_type3A_332 : vector<1x16xf32> to vector<128x16xf32>
    %mul3A_334 = arith.mulf %get3A_61, %mul3A_333 : vector<128x16xf32>
    %reduce_sum3A_335 = arith.constant dense<0.000000e+00> : vector<128xf32>
    %reduce_sum3A_336 = vector.multi_reduction <add>, %mul3A_334, %reduce_sum3A_335 [1] : vector<128x16xf32> to vector<128xf32>
    %broadcast_in_dim3A_337 = vector.shape_cast %reduce_sum3A_336 : vector<128xf32> to vector<128x1xf32>
    %mul3A_338 = vector.broadcast %convert_element_type3A_332 : vector<1x16xf32> to vector<128x16xf32>
    %mul3A_339 = arith.mulf %get3A_64, %mul3A_338 : vector<128x16xf32>
    %reduce_sum3A_340 = arith.constant dense<0.000000e+00> : vector<128xf32>
    %reduce_sum3A_341 = vector.multi_reduction <add>, %mul3A_339, %reduce_sum3A_340 [1] : vector<128x16xf32> to vector<128xf32>
    %broadcast_in_dim3A_342 = vector.shape_cast %reduce_sum3A_341 : vector<128xf32> to vector<128x1xf32>
    %mul3A_343 = vector.broadcast %convert_element_type3A_332 : vector<1x16xf32> to vector<128x16xf32>
    %mul3A_344 = arith.mulf %get3A_67, %mul3A_343 : vector<128x16xf32>
    %reduce_sum3A_345 = arith.constant dense<0.000000e+00> : vector<128xf32>
    %reduce_sum3A_346 = vector.multi_reduction <add>, %mul3A_344, %reduce_sum3A_345 [1] : vector<128x16xf32> to vector<128xf32>
    %broadcast_in_dim3A_347 = vector.shape_cast %reduce_sum3A_346 : vector<128xf32> to vector<128x1xf32>
    %get3A_348 = arith.constant 0 : index
    %get3A_349 = arith.constant 3 : index
    %get3A_350 = arith.constant 0 : index
    %get3A_351 = vector.load %arg5[%get3A_348, %get3A_349, %get3A_350] : memref<1x16x128xf32, #tpu.memory_space<vmem>>, vector<1x1x128xf32>
    %get3A_352 = vector.shape_cast %get3A_351 : vector<1x1x128xf32> to vector<1x128xf32>
    %eq3A_353 = vector.broadcast %broadcast_in_dim3A_347 : vector<128x1xf32> to vector<128x128xf32>
    %eq3A_354 = vector.broadcast %get3A_352 : vector<1x128xf32> to vector<128x128xf32>
    %eq3A_355 = arith.cmpf oeq, %eq3A_353, %eq3A_354 : vector<128x128xf32>
    %and3A_356 = arith.andi %lt3A_72, %eq3A_355 : vector<128x128xi1>
    %convert_element_type3A_357 = arith.extui %and3A_356 : vector<128x128xi1> to vector<128x128xi32>
    %convert_element_type3A_358 = arith.sitofp %convert_element_type3A_357 : vector<128x128xi32> to vector<128x128xf32>
    %mul3A_359 = vector.broadcast %broadcast_in_dim3A_337 : vector<128x1xf32> to vector<128x512xf32>
    %mul3A_360 = arith.mulf %mul3A_359, %get3A_327 : vector<128x512xf32>
    %dot_general3A_361 = arith.constant dense<0.000000e+00> : vector<128x512xf32>
    %dot_general3A_362 = tpu.matmul %convert_element_type3A_358, %mul3A_360, %dot_general3A_361 {dimension_numbers = #tpu.dot_dimension_numbers<[1], [0], [0], [1], [0, 0, 1, 1], [], []>, transpose_lhs_hint = false} : vector<128x128xf32>, vector<128x512xf32>, vector<128x512xf32> -> vector<128x512xf32>
    %slice3A_363 = vector.extract_strided_slice %broadcast_in_dim3A_347 {offsets = [0, 0], sizes = [1, 1], strides = [1, 1]} : vector<128x1xf32> to vector<1x1xf32>
    %eq3A_364 = vector.broadcast %slice3A_363 : vector<1x1xf32> to vector<128x1xf32>
    %eq3A_365 = arith.cmpf oeq, %broadcast_in_dim3A_347, %eq3A_364 : vector<128x1xf32>
    %convert_element_type3A_366 = arith.extui %eq3A_365 : vector<128x1xi1> to vector<128x1xi32>
    %convert_element_type3A_367 = arith.sitofp %convert_element_type3A_366 : vector<128x1xi32> to vector<128x1xf32>
    %get3A_368 = arith.constant 3 : index
    %get3A_369 = arith.constant 0 : index
    %get3A_370 = vector.load %arg9[%get3A_368, %get3A_369] : memref<16x512xf32, #tpu.memory_space<vmem>>, vector<1x512xf32>
    %mul3A_371 = vector.broadcast %convert_element_type3A_367 : vector<128x1xf32> to vector<128x512xf32>
    %mul3A_372 = vector.broadcast %get3A_370 : vector<1x512xf32> to vector<128x512xf32>
    %mul3A_373 = arith.mulf %mul3A_371, %mul3A_372 : vector<128x512xf32>
    %add3A_374 = arith.addf %dot_general3A_362, %mul3A_373 : vector<128x512xf32>
    %gt3A_375 = arith.constant 0.000000e+00 : f32
    %gt3A_376 = vector.broadcast %gt3A_375 : f32 to vector<128x1xf32>
    %gt3A_377 = arith.cmpf ogt, %broadcast_in_dim3A_342, %gt3A_376 : vector<128x1xf32>
    %convert_element_type3A_378 = arith.extui %gt3A_377 : vector<128x1xi1> to vector<128x1xi32>
    %convert_element_type3A_379 = arith.sitofp %convert_element_type3A_378 : vector<128x1xi32> to vector<128x1xf32>
    %mul3A_380 = vector.broadcast %convert_element_type3A_379 : vector<128x1xf32> to vector<128x512xf32>
    %mul3A_381 = arith.mulf %mul3A_380, %add3A_374 : vector<128x512xf32>
    %mul3A_382 = vector.broadcast %broadcast_in_dim3A_342 : vector<128x1xf32> to vector<128x512xf32>
    %mul3A_383 = arith.mulf %mul3A_382, %get3A_327 : vector<128x512xf32>
    %add3A_384 = arith.addf %mul3A_381, %mul3A_383 : vector<128x512xf32>
    %swap3A_385 = arith.constant 3 : index
    %swap3A_386 = arith.constant 0 : index
    %swap3A_387 = arith.constant 0 : index
    %swap3A_388 = vector.load %arg6[%swap3A_385, %swap3A_386, %swap3A_387] : memref<16x128x512xf32, #tpu.memory_space<vmem>>, vector<1x128x512xf32>
    %swap3A_389 = vector.shape_cast %swap3A_388 : vector<1x128x512xf32> to vector<128x512xf32>
    %swap3A_390 = vector.shape_cast %add3A_384 : vector<128x512xf32> to vector<1x128x512xf32>
    tpu.vector_store %arg6[%swap3A_385, %swap3A_386, %swap3A_387], %swap3A_390 {strides = array<i32>} : memref<16x128x512xf32, #tpu.memory_space<vmem>>, vector<1x128x512xf32>,
    %slice3A_391 = vector.extract_strided_slice %get3A_352 {offsets = [0, 127], sizes = [1, 1], strides = [1, 1]} : vector<1x128xf32> to vector<1x1xf32>
    %eq3A_392 = vector.broadcast %slice3A_391 : vector<1x1xf32> to vector<1x128xf32>
    %eq3A_393 = arith.cmpf oeq, %get3A_352, %eq3A_392 : vector<1x128xf32>
    %convert_element_type3A_394 = arith.extui %eq3A_393 : vector<1x128xi1> to vector<1x128xi32>
    %convert_element_type3A_395 = arith.sitofp %convert_element_type3A_394 : vector<1x128xi32> to vector<1x128xf32>
    %dot_general3A_396 = arith.constant dense<0.000000e+00> : vector<1x512xf32>
    %dot_general3A_397 = tpu.matmul %convert_element_type3A_395, %mul3A_360, %dot_general3A_396 {dimension_numbers = #tpu.dot_dimension_numbers<[1], [0], [0], [1], [0, 0, 1, 1], [], []>, transpose_lhs_hint = false} : vector<1x128xf32>, vector<128x512xf32>, vector<1x512xf32> -> vector<1x512xf32>
    %eq3A_398 = arith.cmpf oeq, %slice3A_391, %slice3A_363 : vector<1x1xf32>
    %convert_element_type3A_399 = arith.extui %eq3A_398 : vector<1x1xi1> to vector<1x1xi32>
    %convert_element_type3A_400 = arith.sitofp %convert_element_type3A_399 : vector<1x1xi32> to vector<1x1xf32>
    %mul3A_401 = vector.broadcast %convert_element_type3A_400 : vector<1x1xf32> to vector<1x512xf32>
    %mul3A_402 = arith.mulf %mul3A_401, %get3A_370 : vector<1x512xf32>
    %add3A_403 = arith.addf %dot_general3A_397, %mul3A_402 : vector<1x512xf32>
    %swap3A_404 = arith.constant 3 : index
    %swap3A_405 = arith.constant 0 : index
    %swap3A_406 = vector.load %arg9[%swap3A_404, %swap3A_405] : memref<16x512xf32, #tpu.memory_space<vmem>>, vector<1x512xf32>
    tpu.vector_store %arg9[%swap3A_404, %swap3A_405], %add3A_403 {strides = array<i32>} : memref<16x512xf32, #tpu.memory_space<vmem>>, vector<1x512xf32>,
    %get3A_407 = arith.index_cast %select_n3A_59 : i32 to index
    %get3A_408 = arith.constant 0 : index
    %get3A_409 = arith.constant 4 : index
    %get3A_410 = arith.constant 0 : index
    %get3A_411 = vector.load %arg7[%get3A_407, %get3A_408, %get3A_409, %get3A_410] : memref<3x128x16x512xf32, #tpu.memory_space<vmem>>, vector<1x128x1x512xf32>
    %get3A_412 = vector.shape_cast %get3A_411 : vector<1x128x1x512xf32> to vector<128x512xf32>
    %eq3A_413 = arith.constant 4 : i32
    %eq3A_414 = vector.broadcast %eq3A_413 : i32 to vector<1x16xi32>
    %eq3A_415 = arith.cmpi eq, %iota3A, %eq3A_414 : vector<1x16xi32>
    %convert_element_type3A_416 = arith.extui %eq3A_415 : vector<1x16xi1> to vector<1x16xi32>
    %convert_element_type3A_417 = arith.sitofp %convert_element_type3A_416 : vector<1x16xi32> to vector<1x16xf32>
    %mul3A_418 = vector.broadcast %convert_element_type3A_417 : vector<1x16xf32> to vector<128x16xf32>
    %mul3A_419 = arith.mulf %get3A_61, %mul3A_418 : vector<128x16xf32>
    %reduce_sum3A_420 = arith.constant dense<0.000000e+00> : vector<128xf32>
    %reduce_sum3A_421 = vector.multi_reduction <add>, %mul3A_419, %reduce_sum3A_420 [1] : vector<128x16xf32> to vector<128xf32>
    %broadcast_in_dim3A_422 = vector.shape_cast %reduce_sum3A_421 : vector<128xf32> to vector<128x1xf32>
    %mul3A_423 = vector.broadcast %convert_element_type3A_417 : vector<1x16xf32> to vector<128x16xf32>
    %mul3A_424 = arith.mulf %get3A_64, %mul3A_423 : vector<128x16xf32>
    %reduce_sum3A_425 = arith.constant dense<0.000000e+00> : vector<128xf32>
    %reduce_sum3A_426 = vector.multi_reduction <add>, %mul3A_424, %reduce_sum3A_425 [1] : vector<128x16xf32> to vector<128xf32>
    %broadcast_in_dim3A_427 = vector.shape_cast %reduce_sum3A_426 : vector<128xf32> to vector<128x1xf32>
    %mul3A_428 = vector.broadcast %convert_element_type3A_417 : vector<1x16xf32> to vector<128x16xf32>
    %mul3A_429 = arith.mulf %get3A_67, %mul3A_428 : vector<128x16xf32>
    %reduce_sum3A_430 = arith.constant dense<0.000000e+00> : vector<128xf32>
    %reduce_sum3A_431 = vector.multi_reduction <add>, %mul3A_429, %reduce_sum3A_430 [1] : vector<128x16xf32> to vector<128xf32>
    %broadcast_in_dim3A_432 = vector.shape_cast %reduce_sum3A_431 : vector<128xf32> to vector<128x1xf32>
    %get3A_433 = arith.constant 0 : index
    %get3A_434 = arith.constant 4 : index
    %get3A_435 = arith.constant 0 : index
    %get3A_436 = vector.load %arg5[%get3A_433, %get3A_434, %get3A_435] : memref<1x16x128xf32, #tpu.memory_space<vmem>>, vector<1x1x128xf32>
    %get3A_437 = vector.shape_cast %get3A_436 : vector<1x1x128xf32> to vector<1x128xf32>
    %eq3A_438 = vector.broadcast %broadcast_in_dim3A_432 : vector<128x1xf32> to vector<128x128xf32>
    %eq3A_439 = vector.broadcast %get3A_437 : vector<1x128xf32> to vector<128x128xf32>
    %eq3A_440 = arith.cmpf oeq, %eq3A_438, %eq3A_439 : vector<128x128xf32>
    %and3A_441 = arith.andi %lt3A_72, %eq3A_440 : vector<128x128xi1>
    %convert_element_type3A_442 = arith.extui %and3A_441 : vector<128x128xi1> to vector<128x128xi32>
    %convert_element_type3A_443 = arith.sitofp %convert_element_type3A_442 : vector<128x128xi32> to vector<128x128xf32>
    %mul3A_444 = vector.broadcast %broadcast_in_dim3A_422 : vector<128x1xf32> to vector<128x512xf32>
    %mul3A_445 = arith.mulf %mul3A_444, %get3A_412 : vector<128x512xf32>
    %dot_general3A_446 = arith.constant dense<0.000000e+00> : vector<128x512xf32>
    %dot_general3A_447 = tpu.matmul %convert_element_type3A_443, %mul3A_445, %dot_general3A_446 {dimension_numbers = #tpu.dot_dimension_numbers<[1], [0], [0], [1], [0, 0, 1, 1], [], []>, transpose_lhs_hint = false} : vector<128x128xf32>, vector<128x512xf32>, vector<128x512xf32> -> vector<128x512xf32>
    %slice3A_448 = vector.extract_strided_slice %broadcast_in_dim3A_432 {offsets = [0, 0], sizes = [1, 1], strides = [1, 1]} : vector<128x1xf32> to vector<1x1xf32>
    %eq3A_449 = vector.broadcast %slice3A_448 : vector<1x1xf32> to vector<128x1xf32>
    %eq3A_450 = arith.cmpf oeq, %broadcast_in_dim3A_432, %eq3A_449 : vector<128x1xf32>
    %convert_element_type3A_451 = arith.extui %eq3A_450 : vector<128x1xi1> to vector<128x1xi32>
    %convert_element_type3A_452 = arith.sitofp %convert_element_type3A_451 : vector<128x1xi32> to vector<128x1xf32>
    %get3A_453 = arith.constant 4 : index
    %get3A_454 = arith.constant 0 : index
    %get3A_455 = vector.load %arg9[%get3A_453, %get3A_454] : memref<16x512xf32, #tpu.memory_space<vmem>>, vector<1x512xf32>
    %mul3A_456 = vector.broadcast %convert_element_type3A_452 : vector<128x1xf32> to vector<128x512xf32>
    %mul3A_457 = vector.broadcast %get3A_455 : vector<1x512xf32> to vector<128x512xf32>
    %mul3A_458 = arith.mulf %mul3A_456, %mul3A_457 : vector<128x512xf32>
    %add3A_459 = arith.addf %dot_general3A_447, %mul3A_458 : vector<128x512xf32>
    %gt3A_460 = arith.constant 0.000000e+00 : f32
    %gt3A_461 = vector.broadcast %gt3A_460 : f32 to vector<128x1xf32>
    %gt3A_462 = arith.cmpf ogt, %broadcast_in_dim3A_427, %gt3A_461 : vector<128x1xf32>
    %convert_element_type3A_463 = arith.extui %gt3A_462 : vector<128x1xi1> to vector<128x1xi32>
    %convert_element_type3A_464 = arith.sitofp %convert_element_type3A_463 : vector<128x1xi32> to vector<128x1xf32>
    %mul3A_465 = vector.broadcast %convert_element_type3A_464 : vector<128x1xf32> to vector<128x512xf32>
    %mul3A_466 = arith.mulf %mul3A_465, %add3A_459 : vector<128x512xf32>
    %mul3A_467 = vector.broadcast %broadcast_in_dim3A_427 : vector<128x1xf32> to vector<128x512xf32>
    %mul3A_468 = arith.mulf %mul3A_467, %get3A_412 : vector<128x512xf32>
    %add3A_469 = arith.addf %mul3A_466, %mul3A_468 : vector<128x512xf32>
    %swap3A_470 = arith.constant 4 : index
    %swap3A_471 = arith.constant 0 : index
    %swap3A_472 = arith.constant 0 : index
    %swap3A_473 = vector.load %arg6[%swap3A_470, %swap3A_471, %swap3A_472] : memref<16x128x512xf32, #tpu.memory_space<vmem>>, vector<1x128x512xf32>
    %swap3A_474 = vector.shape_cast %swap3A_473 : vector<1x128x512xf32> to vector<128x512xf32>
    %swap3A_475 = vector.shape_cast %add3A_469 : vector<128x512xf32> to vector<1x128x512xf32>
    tpu.vector_store %arg6[%swap3A_470, %swap3A_471, %swap3A_472], %swap3A_475 {strides = array<i32>} : memref<16x128x512xf32, #tpu.memory_space<vmem>>, vector<1x128x512xf32>,
    %slice3A_476 = vector.extract_strided_slice %get3A_437 {offsets = [0, 127], sizes = [1, 1], strides = [1, 1]} : vector<1x128xf32> to vector<1x1xf32>
    %eq3A_477 = vector.broadcast %slice3A_476 : vector<1x1xf32> to vector<1x128xf32>
    %eq3A_478 = arith.cmpf oeq, %get3A_437, %eq3A_477 : vector<1x128xf32>
    %convert_element_type3A_479 = arith.extui %eq3A_478 : vector<1x128xi1> to vector<1x128xi32>
    %convert_element_type3A_480 = arith.sitofp %convert_element_type3A_479 : vector<1x128xi32> to vector<1x128xf32>
    %dot_general3A_481 = arith.constant dense<0.000000e+00> : vector<1x512xf32>
    %dot_general3A_482 = tpu.matmul %convert_element_type3A_480, %mul3A_445, %dot_general3A_481 {dimension_numbers = #tpu.dot_dimension_numbers<[1], [0], [0], [1], [0, 0, 1, 1], [], []>, transpose_lhs_hint = false} : vector<1x128xf32>, vector<128x512xf32>, vector<1x512xf32> -> vector<1x512xf32>
    %eq3A_483 = arith.cmpf oeq, %slice3A_476, %slice3A_448 : vector<1x1xf32>
    %convert_element_type3A_484 = arith.extui %eq3A_483 : vector<1x1xi1> to vector<1x1xi32>
    %convert_element_type3A_485 = arith.sitofp %convert_element_type3A_484 : vector<1x1xi32> to vector<1x1xf32>
    %mul3A_486 = vector.broadcast %convert_element_type3A_485 : vector<1x1xf32> to vector<1x512xf32>
    %mul3A_487 = arith.mulf %mul3A_486, %get3A_455 : vector<1x512xf32>
    %add3A_488 = arith.addf %dot_general3A_482, %mul3A_487 : vector<1x512xf32>
    %swap3A_489 = arith.constant 4 : index
    %swap3A_490 = arith.constant 0 : index
    %swap3A_491 = vector.load %arg9[%swap3A_489, %swap3A_490] : memref<16x512xf32, #tpu.memory_space<vmem>>, vector<1x512xf32>
    tpu.vector_store %arg9[%swap3A_489, %swap3A_490], %add3A_488 {strides = array<i32>} : memref<16x512xf32, #tpu.memory_space<vmem>>, vector<1x512xf32>,
    %get3A_492 = arith.index_cast %select_n3A_59 : i32 to index
    %get3A_493 = arith.constant 0 : index
    %get3A_494 = arith.constant 5 : index
    %get3A_495 = arith.constant 0 : index
    %get3A_496 = vector.load %arg7[%get3A_492, %get3A_493, %get3A_494, %get3A_495] : memref<3x128x16x512xf32, #tpu.memory_space<vmem>>, vector<1x128x1x512xf32>
    %get3A_497 = vector.shape_cast %get3A_496 : vector<1x128x1x512xf32> to vector<128x512xf32>
    %eq3A_498 = arith.constant 5 : i32
    %eq3A_499 = vector.broadcast %eq3A_498 : i32 to vector<1x16xi32>
    %eq3A_500 = arith.cmpi eq, %iota3A, %eq3A_499 : vector<1x16xi32>
    %convert_element_type3A_501 = arith.extui %eq3A_500 : vector<1x16xi1> to vector<1x16xi32>
    %convert_element_type3A_502 = arith.sitofp %convert_element_type3A_501 : vector<1x16xi32> to vector<1x16xf32>
    %mul3A_503 = vector.broadcast %convert_element_type3A_502 : vector<1x16xf32> to vector<128x16xf32>
    %mul3A_504 = arith.mulf %get3A_61, %mul3A_503 : vector<128x16xf32>
    %reduce_sum3A_505 = arith.constant dense<0.000000e+00> : vector<128xf32>
    %reduce_sum3A_506 = vector.multi_reduction <add>, %mul3A_504, %reduce_sum3A_505 [1] : vector<128x16xf32> to vector<128xf32>
    %broadcast_in_dim3A_507 = vector.shape_cast %reduce_sum3A_506 : vector<128xf32> to vector<128x1xf32>
    %mul3A_508 = vector.broadcast %convert_element_type3A_502 : vector<1x16xf32> to vector<128x16xf32>
    %mul3A_509 = arith.mulf %get3A_64, %mul3A_508 : vector<128x16xf32>
    %reduce_sum3A_510 = arith.constant dense<0.000000e+00> : vector<128xf32>
    %reduce_sum3A_511 = vector.multi_reduction <add>, %mul3A_509, %reduce_sum3A_510 [1] : vector<128x16xf32> to vector<128xf32>
    %broadcast_in_dim3A_512 = vector.shape_cast %reduce_sum3A_511 : vector<128xf32> to vector<128x1xf32>
    %mul3A_513 = vector.broadcast %convert_element_type3A_502 : vector<1x16xf32> to vector<128x16xf32>
    %mul3A_514 = arith.mulf %get3A_67, %mul3A_513 : vector<128x16xf32>
    %reduce_sum3A_515 = arith.constant dense<0.000000e+00> : vector<128xf32>
    %reduce_sum3A_516 = vector.multi_reduction <add>, %mul3A_514, %reduce_sum3A_515 [1] : vector<128x16xf32> to vector<128xf32>
    %broadcast_in_dim3A_517 = vector.shape_cast %reduce_sum3A_516 : vector<128xf32> to vector<128x1xf32>
    %get3A_518 = arith.constant 0 : index
    %get3A_519 = arith.constant 5 : index
    %get3A_520 = arith.constant 0 : index
    %get3A_521 = vector.load %arg5[%get3A_518, %get3A_519, %get3A_520] : memref<1x16x128xf32, #tpu.memory_space<vmem>>, vector<1x1x128xf32>
    %get3A_522 = vector.shape_cast %get3A_521 : vector<1x1x128xf32> to vector<1x128xf32>
    %eq3A_523 = vector.broadcast %broadcast_in_dim3A_517 : vector<128x1xf32> to vector<128x128xf32>
    %eq3A_524 = vector.broadcast %get3A_522 : vector<1x128xf32> to vector<128x128xf32>
    %eq3A_525 = arith.cmpf oeq, %eq3A_523, %eq3A_524 : vector<128x128xf32>
    %and3A_526 = arith.andi %lt3A_72, %eq3A_525 : vector<128x128xi1>
    %convert_element_type3A_527 = arith.extui %and3A_526 : vector<128x128xi1> to vector<128x128xi32>
    %convert_element_type3A_528 = arith.sitofp %convert_element_type3A_527 : vector<128x128xi32> to vector<128x128xf32>
    %mul3A_529 = vector.broadcast %broadcast_in_dim3A_507 : vector<128x1xf32> to vector<128x512xf32>
    %mul3A_530 = arith.mulf %mul3A_529, %get3A_497 : vector<128x512xf32>
    %dot_general3A_531 = arith.constant dense<0.000000e+00> : vector<128x512xf32>
    %dot_general3A_532 = tpu.matmul %convert_element_type3A_528, %mul3A_530, %dot_general3A_531 {dimension_numbers = #tpu.dot_dimension_numbers<[1], [0], [0], [1], [0, 0, 1, 1], [], []>, transpose_lhs_hint = false} : vector<128x128xf32>, vector<128x512xf32>, vector<128x512xf32> -> vector<128x512xf32>
    %slice3A_533 = vector.extract_strided_slice %broadcast_in_dim3A_517 {offsets = [0, 0], sizes = [1, 1], strides = [1, 1]} : vector<128x1xf32> to vector<1x1xf32>
    %eq3A_534 = vector.broadcast %slice3A_533 : vector<1x1xf32> to vector<128x1xf32>
    %eq3A_535 = arith.cmpf oeq, %broadcast_in_dim3A_517, %eq3A_534 : vector<128x1xf32>
    %convert_element_type3A_536 = arith.extui %eq3A_535 : vector<128x1xi1> to vector<128x1xi32>
    %convert_element_type3A_537 = arith.sitofp %convert_element_type3A_536 : vector<128x1xi32> to vector<128x1xf32>
    %get3A_538 = arith.constant 5 : index
    %get3A_539 = arith.constant 0 : index
    %get3A_540 = vector.load %arg9[%get3A_538, %get3A_539] : memref<16x512xf32, #tpu.memory_space<vmem>>, vector<1x512xf32>
    %mul3A_541 = vector.broadcast %convert_element_type3A_537 : vector<128x1xf32> to vector<128x512xf32>
    %mul3A_542 = vector.broadcast %get3A_540 : vector<1x512xf32> to vector<128x512xf32>
    %mul3A_543 = arith.mulf %mul3A_541, %mul3A_542 : vector<128x512xf32>
    %add3A_544 = arith.addf %dot_general3A_532, %mul3A_543 : vector<128x512xf32>
    %gt3A_545 = arith.constant 0.000000e+00 : f32
    %gt3A_546 = vector.broadcast %gt3A_545 : f32 to vector<128x1xf32>
    %gt3A_547 = arith.cmpf ogt, %broadcast_in_dim3A_512, %gt3A_546 : vector<128x1xf32>
    %convert_element_type3A_548 = arith.extui %gt3A_547 : vector<128x1xi1> to vector<128x1xi32>
    %convert_element_type3A_549 = arith.sitofp %convert_element_type3A_548 : vector<128x1xi32> to vector<128x1xf32>
    %mul3A_550 = vector.broadcast %convert_element_type3A_549 : vector<128x1xf32> to vector<128x512xf32>
    %mul3A_551 = arith.mulf %mul3A_550, %add3A_544 : vector<128x512xf32>
    %mul3A_552 = vector.broadcast %broadcast_in_dim3A_512 : vector<128x1xf32> to vector<128x512xf32>
    %mul3A_553 = arith.mulf %mul3A_552, %get3A_497 : vector<128x512xf32>
    %add3A_554 = arith.addf %mul3A_551, %mul3A_553 : vector<128x512xf32>
    %swap3A_555 = arith.constant 5 : index
    %swap3A_556 = arith.constant 0 : index
    %swap3A_557 = arith.constant 0 : index
    %swap3A_558 = vector.load %arg6[%swap3A_555, %swap3A_556, %swap3A_557] : memref<16x128x512xf32, #tpu.memory_space<vmem>>, vector<1x128x512xf32>
    %swap3A_559 = vector.shape_cast %swap3A_558 : vector<1x128x512xf32> to vector<128x512xf32>
    %swap3A_560 = vector.shape_cast %add3A_554 : vector<128x512xf32> to vector<1x128x512xf32>
    tpu.vector_store %arg6[%swap3A_555, %swap3A_556, %swap3A_557], %swap3A_560 {strides = array<i32>} : memref<16x128x512xf32, #tpu.memory_space<vmem>>, vector<1x128x512xf32>,
    %slice3A_561 = vector.extract_strided_slice %get3A_522 {offsets = [0, 127], sizes = [1, 1], strides = [1, 1]} : vector<1x128xf32> to vector<1x1xf32>
    %eq3A_562 = vector.broadcast %slice3A_561 : vector<1x1xf32> to vector<1x128xf32>
    %eq3A_563 = arith.cmpf oeq, %get3A_522, %eq3A_562 : vector<1x128xf32>
    %convert_element_type3A_564 = arith.extui %eq3A_563 : vector<1x128xi1> to vector<1x128xi32>
    %convert_element_type3A_565 = arith.sitofp %convert_element_type3A_564 : vector<1x128xi32> to vector<1x128xf32>
    %dot_general3A_566 = arith.constant dense<0.000000e+00> : vector<1x512xf32>
    %dot_general3A_567 = tpu.matmul %convert_element_type3A_565, %mul3A_530, %dot_general3A_566 {dimension_numbers = #tpu.dot_dimension_numbers<[1], [0], [0], [1], [0, 0, 1, 1], [], []>, transpose_lhs_hint = false} : vector<1x128xf32>, vector<128x512xf32>, vector<1x512xf32> -> vector<1x512xf32>
    %eq3A_568 = arith.cmpf oeq, %slice3A_561, %slice3A_533 : vector<1x1xf32>
    %convert_element_type3A_569 = arith.extui %eq3A_568 : vector<1x1xi1> to vector<1x1xi32>
    %convert_element_type3A_570 = arith.sitofp %convert_element_type3A_569 : vector<1x1xi32> to vector<1x1xf32>
    %mul3A_571 = vector.broadcast %convert_element_type3A_570 : vector<1x1xf32> to vector<1x512xf32>
    %mul3A_572 = arith.mulf %mul3A_571, %get3A_540 : vector<1x512xf32>
    %add3A_573 = arith.addf %dot_general3A_567, %mul3A_572 : vector<1x512xf32>
    %swap3A_574 = arith.constant 5 : index
    %swap3A_575 = arith.constant 0 : index
    %swap3A_576 = vector.load %arg9[%swap3A_574, %swap3A_575] : memref<16x512xf32, #tpu.memory_space<vmem>>, vector<1x512xf32>
    tpu.vector_store %arg9[%swap3A_574, %swap3A_575], %add3A_573 {strides = array<i32>} : memref<16x512xf32, #tpu.memory_space<vmem>>, vector<1x512xf32>,
    %get3A_577 = arith.index_cast %select_n3A_59 : i32 to index
    %get3A_578 = arith.constant 0 : index
    %get3A_579 = arith.constant 6 : index
    %get3A_580 = arith.constant 0 : index
    %get3A_581 = vector.load %arg7[%get3A_577, %get3A_578, %get3A_579, %get3A_580] : memref<3x128x16x512xf32, #tpu.memory_space<vmem>>, vector<1x128x1x512xf32>
    %get3A_582 = vector.shape_cast %get3A_581 : vector<1x128x1x512xf32> to vector<128x512xf32>
    %eq3A_583 = arith.constant 6 : i32
    %eq3A_584 = vector.broadcast %eq3A_583 : i32 to vector<1x16xi32>
    %eq3A_585 = arith.cmpi eq, %iota3A, %eq3A_584 : vector<1x16xi32>
    %convert_element_type3A_586 = arith.extui %eq3A_585 : vector<1x16xi1> to vector<1x16xi32>
    %convert_element_type3A_587 = arith.sitofp %convert_element_type3A_586 : vector<1x16xi32> to vector<1x16xf32>
    %mul3A_588 = vector.broadcast %convert_element_type3A_587 : vector<1x16xf32> to vector<128x16xf32>
    %mul3A_589 = arith.mulf %get3A_61, %mul3A_588 : vector<128x16xf32>
    %reduce_sum3A_590 = arith.constant dense<0.000000e+00> : vector<128xf32>
    %reduce_sum3A_591 = vector.multi_reduction <add>, %mul3A_589, %reduce_sum3A_590 [1] : vector<128x16xf32> to vector<128xf32>
    %broadcast_in_dim3A_592 = vector.shape_cast %reduce_sum3A_591 : vector<128xf32> to vector<128x1xf32>
    %mul3A_593 = vector.broadcast %convert_element_type3A_587 : vector<1x16xf32> to vector<128x16xf32>
    %mul3A_594 = arith.mulf %get3A_64, %mul3A_593 : vector<128x16xf32>
    %reduce_sum3A_595 = arith.constant dense<0.000000e+00> : vector<128xf32>
    %reduce_sum3A_596 = vector.multi_reduction <add>, %mul3A_594, %reduce_sum3A_595 [1] : vector<128x16xf32> to vector<128xf32>
    %broadcast_in_dim3A_597 = vector.shape_cast %reduce_sum3A_596 : vector<128xf32> to vector<128x1xf32>
    %mul3A_598 = vector.broadcast %convert_element_type3A_587 : vector<1x16xf32> to vector<128x16xf32>
    %mul3A_599 = arith.mulf %get3A_67, %mul3A_598 : vector<128x16xf32>
    %reduce_sum3A_600 = arith.constant dense<0.000000e+00> : vector<128xf32>
    %reduce_sum3A_601 = vector.multi_reduction <add>, %mul3A_599, %reduce_sum3A_600 [1] : vector<128x16xf32> to vector<128xf32>
    %broadcast_in_dim3A_602 = vector.shape_cast %reduce_sum3A_601 : vector<128xf32> to vector<128x1xf32>
    %get3A_603 = arith.constant 0 : index
    %get3A_604 = arith.constant 6 : index
    %get3A_605 = arith.constant 0 : index
    %get3A_606 = vector.load %arg5[%get3A_603, %get3A_604, %get3A_605] : memref<1x16x128xf32, #tpu.memory_space<vmem>>, vector<1x1x128xf32>
    %get3A_607 = vector.shape_cast %get3A_606 : vector<1x1x128xf32> to vector<1x128xf32>
    %eq3A_608 = vector.broadcast %broadcast_in_dim3A_602 : vector<128x1xf32> to vector<128x128xf32>
    %eq3A_609 = vector.broadcast %get3A_607 : vector<1x128xf32> to vector<128x128xf32>
    %eq3A_610 = arith.cmpf oeq, %eq3A_608, %eq3A_609 : vector<128x128xf32>
    %and3A_611 = arith.andi %lt3A_72, %eq3A_610 : vector<128x128xi1>
    %convert_element_type3A_612 = arith.extui %and3A_611 : vector<128x128xi1> to vector<128x128xi32>
    %convert_element_type3A_613 = arith.sitofp %convert_element_type3A_612 : vector<128x128xi32> to vector<128x128xf32>
    %mul3A_614 = vector.broadcast %broadcast_in_dim3A_592 : vector<128x1xf32> to vector<128x512xf32>
    %mul3A_615 = arith.mulf %mul3A_614, %get3A_582 : vector<128x512xf32>
    %dot_general3A_616 = arith.constant dense<0.000000e+00> : vector<128x512xf32>
    %dot_general3A_617 = tpu.matmul %convert_element_type3A_613, %mul3A_615, %dot_general3A_616 {dimension_numbers = #tpu.dot_dimension_numbers<[1], [0], [0], [1], [0, 0, 1, 1], [], []>, transpose_lhs_hint = false} : vector<128x128xf32>, vector<128x512xf32>, vector<128x512xf32> -> vector<128x512xf32>
    %slice3A_618 = vector.extract_strided_slice %broadcast_in_dim3A_602 {offsets = [0, 0], sizes = [1, 1], strides = [1, 1]} : vector<128x1xf32> to vector<1x1xf32>
    %eq3A_619 = vector.broadcast %slice3A_618 : vector<1x1xf32> to vector<128x1xf32>
    %eq3A_620 = arith.cmpf oeq, %broadcast_in_dim3A_602, %eq3A_619 : vector<128x1xf32>
    %convert_element_type3A_621 = arith.extui %eq3A_620 : vector<128x1xi1> to vector<128x1xi32>
    %convert_element_type3A_622 = arith.sitofp %convert_element_type3A_621 : vector<128x1xi32> to vector<128x1xf32>
    %get3A_623 = arith.constant 6 : index
    %get3A_624 = arith.constant 0 : index
    %get3A_625 = vector.load %arg9[%get3A_623, %get3A_624] : memref<16x512xf32, #tpu.memory_space<vmem>>, vector<1x512xf32>
    %mul3A_626 = vector.broadcast %convert_element_type3A_622 : vector<128x1xf32> to vector<128x512xf32>
    %mul3A_627 = vector.broadcast %get3A_625 : vector<1x512xf32> to vector<128x512xf32>
    %mul3A_628 = arith.mulf %mul3A_626, %mul3A_627 : vector<128x512xf32>
    %add3A_629 = arith.addf %dot_general3A_617, %mul3A_628 : vector<128x512xf32>
    %gt3A_630 = arith.constant 0.000000e+00 : f32
    %gt3A_631 = vector.broadcast %gt3A_630 : f32 to vector<128x1xf32>
    %gt3A_632 = arith.cmpf ogt, %broadcast_in_dim3A_597, %gt3A_631 : vector<128x1xf32>
    %convert_element_type3A_633 = arith.extui %gt3A_632 : vector<128x1xi1> to vector<128x1xi32>
    %convert_element_type3A_634 = arith.sitofp %convert_element_type3A_633 : vector<128x1xi32> to vector<128x1xf32>
    %mul3A_635 = vector.broadcast %convert_element_type3A_634 : vector<128x1xf32> to vector<128x512xf32>
    %mul3A_636 = arith.mulf %mul3A_635, %add3A_629 : vector<128x512xf32>
    %mul3A_637 = vector.broadcast %broadcast_in_dim3A_597 : vector<128x1xf32> to vector<128x512xf32>
    %mul3A_638 = arith.mulf %mul3A_637, %get3A_582 : vector<128x512xf32>
    %add3A_639 = arith.addf %mul3A_636, %mul3A_638 : vector<128x512xf32>
    %swap3A_640 = arith.constant 6 : index
    %swap3A_641 = arith.constant 0 : index
    %swap3A_642 = arith.constant 0 : index
    %swap3A_643 = vector.load %arg6[%swap3A_640, %swap3A_641, %swap3A_642] : memref<16x128x512xf32, #tpu.memory_space<vmem>>, vector<1x128x512xf32>
    %swap3A_644 = vector.shape_cast %swap3A_643 : vector<1x128x512xf32> to vector<128x512xf32>
    %swap3A_645 = vector.shape_cast %add3A_639 : vector<128x512xf32> to vector<1x128x512xf32>
    tpu.vector_store %arg6[%swap3A_640, %swap3A_641, %swap3A_642], %swap3A_645 {strides = array<i32>} : memref<16x128x512xf32, #tpu.memory_space<vmem>>, vector<1x128x512xf32>,
    %slice3A_646 = vector.extract_strided_slice %get3A_607 {offsets = [0, 127], sizes = [1, 1], strides = [1, 1]} : vector<1x128xf32> to vector<1x1xf32>
    %eq3A_647 = vector.broadcast %slice3A_646 : vector<1x1xf32> to vector<1x128xf32>
    %eq3A_648 = arith.cmpf oeq, %get3A_607, %eq3A_647 : vector<1x128xf32>
    %convert_element_type3A_649 = arith.extui %eq3A_648 : vector<1x128xi1> to vector<1x128xi32>
    %convert_element_type3A_650 = arith.sitofp %convert_element_type3A_649 : vector<1x128xi32> to vector<1x128xf32>
    %dot_general3A_651 = arith.constant dense<0.000000e+00> : vector<1x512xf32>
    %dot_general3A_652 = tpu.matmul %convert_element_type3A_650, %mul3A_615, %dot_general3A_651 {dimension_numbers = #tpu.dot_dimension_numbers<[1], [0], [0], [1], [0, 0, 1, 1], [], []>, transpose_lhs_hint = false} : vector<1x128xf32>, vector<128x512xf32>, vector<1x512xf32> -> vector<1x512xf32>
    %eq3A_653 = arith.cmpf oeq, %slice3A_646, %slice3A_618 : vector<1x1xf32>
    %convert_element_type3A_654 = arith.extui %eq3A_653 : vector<1x1xi1> to vector<1x1xi32>
    %convert_element_type3A_655 = arith.sitofp %convert_element_type3A_654 : vector<1x1xi32> to vector<1x1xf32>
    %mul3A_656 = vector.broadcast %convert_element_type3A_655 : vector<1x1xf32> to vector<1x512xf32>
    %mul3A_657 = arith.mulf %mul3A_656, %get3A_625 : vector<1x512xf32>
    %add3A_658 = arith.addf %dot_general3A_652, %mul3A_657 : vector<1x512xf32>
    %swap3A_659 = arith.constant 6 : index
    %swap3A_660 = arith.constant 0 : index
    %swap3A_661 = vector.load %arg9[%swap3A_659, %swap3A_660] : memref<16x512xf32, #tpu.memory_space<vmem>>, vector<1x512xf32>
    tpu.vector_store %arg9[%swap3A_659, %swap3A_660], %add3A_658 {strides = array<i32>} : memref<16x512xf32, #tpu.memory_space<vmem>>, vector<1x512xf32>,
    %get3A_662 = arith.index_cast %select_n3A_59 : i32 to index
    %get3A_663 = arith.constant 0 : index
    %get3A_664 = arith.constant 7 : index
    %get3A_665 = arith.constant 0 : index
    %get3A_666 = vector.load %arg7[%get3A_662, %get3A_663, %get3A_664, %get3A_665] : memref<3x128x16x512xf32, #tpu.memory_space<vmem>>, vector<1x128x1x512xf32>
    %get3A_667 = vector.shape_cast %get3A_666 : vector<1x128x1x512xf32> to vector<128x512xf32>
    %eq3A_668 = arith.constant 7 : i32
    %eq3A_669 = vector.broadcast %eq3A_668 : i32 to vector<1x16xi32>
    %eq3A_670 = arith.cmpi eq, %iota3A, %eq3A_669 : vector<1x16xi32>
    %convert_element_type3A_671 = arith.extui %eq3A_670 : vector<1x16xi1> to vector<1x16xi32>
    %convert_element_type3A_672 = arith.sitofp %convert_element_type3A_671 : vector<1x16xi32> to vector<1x16xf32>
    %mul3A_673 = vector.broadcast %convert_element_type3A_672 : vector<1x16xf32> to vector<128x16xf32>
    %mul3A_674 = arith.mulf %get3A_61, %mul3A_673 : vector<128x16xf32>
    %reduce_sum3A_675 = arith.constant dense<0.000000e+00> : vector<128xf32>
    %reduce_sum3A_676 = vector.multi_reduction <add>, %mul3A_674, %reduce_sum3A_675 [1] : vector<128x16xf32> to vector<128xf32>
    %broadcast_in_dim3A_677 = vector.shape_cast %reduce_sum3A_676 : vector<128xf32> to vector<128x1xf32>
    %mul3A_678 = vector.broadcast %convert_element_type3A_672 : vector<1x16xf32> to vector<128x16xf32>
    %mul3A_679 = arith.mulf %get3A_64, %mul3A_678 : vector<128x16xf32>
    %reduce_sum3A_680 = arith.constant dense<0.000000e+00> : vector<128xf32>
    %reduce_sum3A_681 = vector.multi_reduction <add>, %mul3A_679, %reduce_sum3A_680 [1] : vector<128x16xf32> to vector<128xf32>
    %broadcast_in_dim3A_682 = vector.shape_cast %reduce_sum3A_681 : vector<128xf32> to vector<128x1xf32>
    %mul3A_683 = vector.broadcast %convert_element_type3A_672 : vector<1x16xf32> to vector<128x16xf32>
    %mul3A_684 = arith.mulf %get3A_67, %mul3A_683 : vector<128x16xf32>
    %reduce_sum3A_685 = arith.constant dense<0.000000e+00> : vector<128xf32>
    %reduce_sum3A_686 = vector.multi_reduction <add>, %mul3A_684, %reduce_sum3A_685 [1] : vector<128x16xf32> to vector<128xf32>
    %broadcast_in_dim3A_687 = vector.shape_cast %reduce_sum3A_686 : vector<128xf32> to vector<128x1xf32>
    %get3A_688 = arith.constant 0 : index
    %get3A_689 = arith.constant 7 : index
    %get3A_690 = arith.constant 0 : index
    %get3A_691 = vector.load %arg5[%get3A_688, %get3A_689, %get3A_690] : memref<1x16x128xf32, #tpu.memory_space<vmem>>, vector<1x1x128xf32>
    %get3A_692 = vector.shape_cast %get3A_691 : vector<1x1x128xf32> to vector<1x128xf32>
    %eq3A_693 = vector.broadcast %broadcast_in_dim3A_687 : vector<128x1xf32> to vector<128x128xf32>
    %eq3A_694 = vector.broadcast %get3A_692 : vector<1x128xf32> to vector<128x128xf32>
    %eq3A_695 = arith.cmpf oeq, %eq3A_693, %eq3A_694 : vector<128x128xf32>
    %and3A_696 = arith.andi %lt3A_72, %eq3A_695 : vector<128x128xi1>
    %convert_element_type3A_697 = arith.extui %and3A_696 : vector<128x128xi1> to vector<128x128xi32>
    %convert_element_type3A_698 = arith.sitofp %convert_element_type3A_697 : vector<128x128xi32> to vector<128x128xf32>
    %mul3A_699 = vector.broadcast %broadcast_in_dim3A_677 : vector<128x1xf32> to vector<128x512xf32>
    %mul3A_700 = arith.mulf %mul3A_699, %get3A_667 : vector<128x512xf32>
    %dot_general3A_701 = arith.constant dense<0.000000e+00> : vector<128x512xf32>
    %dot_general3A_702 = tpu.matmul %convert_element_type3A_698, %mul3A_700, %dot_general3A_701 {dimension_numbers = #tpu.dot_dimension_numbers<[1], [0], [0], [1], [0, 0, 1, 1], [], []>, transpose_lhs_hint = false} : vector<128x128xf32>, vector<128x512xf32>, vector<128x512xf32> -> vector<128x512xf32>
    %slice3A_703 = vector.extract_strided_slice %broadcast_in_dim3A_687 {offsets = [0, 0], sizes = [1, 1], strides = [1, 1]} : vector<128x1xf32> to vector<1x1xf32>
    %eq3A_704 = vector.broadcast %slice3A_703 : vector<1x1xf32> to vector<128x1xf32>
    %eq3A_705 = arith.cmpf oeq, %broadcast_in_dim3A_687, %eq3A_704 : vector<128x1xf32>
    %convert_element_type3A_706 = arith.extui %eq3A_705 : vector<128x1xi1> to vector<128x1xi32>
    %convert_element_type3A_707 = arith.sitofp %convert_element_type3A_706 : vector<128x1xi32> to vector<128x1xf32>
    %get3A_708 = arith.constant 7 : index
    %get3A_709 = arith.constant 0 : index
    %get3A_710 = vector.load %arg9[%get3A_708, %get3A_709] : memref<16x512xf32, #tpu.memory_space<vmem>>, vector<1x512xf32>
    %mul3A_711 = vector.broadcast %convert_element_type3A_707 : vector<128x1xf32> to vector<128x512xf32>
    %mul3A_712 = vector.broadcast %get3A_710 : vector<1x512xf32> to vector<128x512xf32>
    %mul3A_713 = arith.mulf %mul3A_711, %mul3A_712 : vector<128x512xf32>
    %add3A_714 = arith.addf %dot_general3A_702, %mul3A_713 : vector<128x512xf32>
    %gt3A_715 = arith.constant 0.000000e+00 : f32
    %gt3A_716 = vector.broadcast %gt3A_715 : f32 to vector<128x1xf32>
    %gt3A_717 = arith.cmpf ogt, %broadcast_in_dim3A_682, %gt3A_716 : vector<128x1xf32>
    %convert_element_type3A_718 = arith.extui %gt3A_717 : vector<128x1xi1> to vector<128x1xi32>
    %convert_element_type3A_719 = arith.sitofp %convert_element_type3A_718 : vector<128x1xi32> to vector<128x1xf32>
    %mul3A_720 = vector.broadcast %convert_element_type3A_719 : vector<128x1xf32> to vector<128x512xf32>
    %mul3A_721 = arith.mulf %mul3A_720, %add3A_714 : vector<128x512xf32>
    %mul3A_722 = vector.broadcast %broadcast_in_dim3A_682 : vector<128x1xf32> to vector<128x512xf32>
    %mul3A_723 = arith.mulf %mul3A_722, %get3A_667 : vector<128x512xf32>
    %add3A_724 = arith.addf %mul3A_721, %mul3A_723 : vector<128x512xf32>
    %swap3A_725 = arith.constant 7 : index
    %swap3A_726 = arith.constant 0 : index
    %swap3A_727 = arith.constant 0 : index
    %swap3A_728 = vector.load %arg6[%swap3A_725, %swap3A_726, %swap3A_727] : memref<16x128x512xf32, #tpu.memory_space<vmem>>, vector<1x128x512xf32>
    %swap3A_729 = vector.shape_cast %swap3A_728 : vector<1x128x512xf32> to vector<128x512xf32>
    %swap3A_730 = vector.shape_cast %add3A_724 : vector<128x512xf32> to vector<1x128x512xf32>
    tpu.vector_store %arg6[%swap3A_725, %swap3A_726, %swap3A_727], %swap3A_730 {strides = array<i32>} : memref<16x128x512xf32, #tpu.memory_space<vmem>>, vector<1x128x512xf32>,
    %slice3A_731 = vector.extract_strided_slice %get3A_692 {offsets = [0, 127], sizes = [1, 1], strides = [1, 1]} : vector<1x128xf32> to vector<1x1xf32>
    %eq3A_732 = vector.broadcast %slice3A_731 : vector<1x1xf32> to vector<1x128xf32>
    %eq3A_733 = arith.cmpf oeq, %get3A_692, %eq3A_732 : vector<1x128xf32>
    %convert_element_type3A_734 = arith.extui %eq3A_733 : vector<1x128xi1> to vector<1x128xi32>
    %convert_element_type3A_735 = arith.sitofp %convert_element_type3A_734 : vector<1x128xi32> to vector<1x128xf32>
    %dot_general3A_736 = arith.constant dense<0.000000e+00> : vector<1x512xf32>
    %dot_general3A_737 = tpu.matmul %convert_element_type3A_735, %mul3A_700, %dot_general3A_736 {dimension_numbers = #tpu.dot_dimension_numbers<[1], [0], [0], [1], [0, 0, 1, 1], [], []>, transpose_lhs_hint = false} : vector<1x128xf32>, vector<128x512xf32>, vector<1x512xf32> -> vector<1x512xf32>
    %eq3A_738 = arith.cmpf oeq, %slice3A_731, %slice3A_703 : vector<1x1xf32>
    %convert_element_type3A_739 = arith.extui %eq3A_738 : vector<1x1xi1> to vector<1x1xi32>
    %convert_element_type3A_740 = arith.sitofp %convert_element_type3A_739 : vector<1x1xi32> to vector<1x1xf32>
    %mul3A_741 = vector.broadcast %convert_element_type3A_740 : vector<1x1xf32> to vector<1x512xf32>
    %mul3A_742 = arith.mulf %mul3A_741, %get3A_710 : vector<1x512xf32>
    %add3A_743 = arith.addf %dot_general3A_737, %mul3A_742 : vector<1x512xf32>
    %swap3A_744 = arith.constant 7 : index
    %swap3A_745 = arith.constant 0 : index
    %swap3A_746 = vector.load %arg9[%swap3A_744, %swap3A_745] : memref<16x512xf32, #tpu.memory_space<vmem>>, vector<1x512xf32>
    tpu.vector_store %arg9[%swap3A_744, %swap3A_745], %add3A_743 {strides = array<i32>} : memref<16x512xf32, #tpu.memory_space<vmem>>, vector<1x512xf32>,
    %get3A_747 = arith.index_cast %select_n3A_59 : i32 to index
    %get3A_748 = arith.constant 0 : index
    %get3A_749 = arith.constant 8 : index
    %get3A_750 = arith.constant 0 : index
    %get3A_751 = vector.load %arg7[%get3A_747, %get3A_748, %get3A_749, %get3A_750] : memref<3x128x16x512xf32, #tpu.memory_space<vmem>>, vector<1x128x1x512xf32>
    %get3A_752 = vector.shape_cast %get3A_751 : vector<1x128x1x512xf32> to vector<128x512xf32>
    %eq3A_753 = arith.constant 8 : i32
    %eq3A_754 = vector.broadcast %eq3A_753 : i32 to vector<1x16xi32>
    %eq3A_755 = arith.cmpi eq, %iota3A, %eq3A_754 : vector<1x16xi32>
    %convert_element_type3A_756 = arith.extui %eq3A_755 : vector<1x16xi1> to vector<1x16xi32>
    %convert_element_type3A_757 = arith.sitofp %convert_element_type3A_756 : vector<1x16xi32> to vector<1x16xf32>
    %mul3A_758 = vector.broadcast %convert_element_type3A_757 : vector<1x16xf32> to vector<128x16xf32>
    %mul3A_759 = arith.mulf %get3A_61, %mul3A_758 : vector<128x16xf32>
    %reduce_sum3A_760 = arith.constant dense<0.000000e+00> : vector<128xf32>
    %reduce_sum3A_761 = vector.multi_reduction <add>, %mul3A_759, %reduce_sum3A_760 [1] : vector<128x16xf32> to vector<128xf32>
    %broadcast_in_dim3A_762 = vector.shape_cast %reduce_sum3A_761 : vector<128xf32> to vector<128x1xf32>
    %mul3A_763 = vector.broadcast %convert_element_type3A_757 : vector<1x16xf32> to vector<128x16xf32>
    %mul3A_764 = arith.mulf %get3A_64, %mul3A_763 : vector<128x16xf32>
    %reduce_sum3A_765 = arith.constant dense<0.000000e+00> : vector<128xf32>
    %reduce_sum3A_766 = vector.multi_reduction <add>, %mul3A_764, %reduce_sum3A_765 [1] : vector<128x16xf32> to vector<128xf32>
    %broadcast_in_dim3A_767 = vector.shape_cast %reduce_sum3A_766 : vector<128xf32> to vector<128x1xf32>
    %mul3A_768 = vector.broadcast %convert_element_type3A_757 : vector<1x16xf32> to vector<128x16xf32>
    %mul3A_769 = arith.mulf %get3A_67, %mul3A_768 : vector<128x16xf32>
    %reduce_sum3A_770 = arith.constant dense<0.000000e+00> : vector<128xf32>
    %reduce_sum3A_771 = vector.multi_reduction <add>, %mul3A_769, %reduce_sum3A_770 [1] : vector<128x16xf32> to vector<128xf32>
    %broadcast_in_dim3A_772 = vector.shape_cast %reduce_sum3A_771 : vector<128xf32> to vector<128x1xf32>
    %get3A_773 = arith.constant 0 : index
    %get3A_774 = arith.constant 8 : index
    %get3A_775 = arith.constant 0 : index
    %get3A_776 = vector.load %arg5[%get3A_773, %get3A_774, %get3A_775] : memref<1x16x128xf32, #tpu.memory_space<vmem>>, vector<1x1x128xf32>
    %get3A_777 = vector.shape_cast %get3A_776 : vector<1x1x128xf32> to vector<1x128xf32>
    %eq3A_778 = vector.broadcast %broadcast_in_dim3A_772 : vector<128x1xf32> to vector<128x128xf32>
    %eq3A_779 = vector.broadcast %get3A_777 : vector<1x128xf32> to vector<128x128xf32>
    %eq3A_780 = arith.cmpf oeq, %eq3A_778, %eq3A_779 : vector<128x128xf32>
    %and3A_781 = arith.andi %lt3A_72, %eq3A_780 : vector<128x128xi1>
    %convert_element_type3A_782 = arith.extui %and3A_781 : vector<128x128xi1> to vector<128x128xi32>
    %convert_element_type3A_783 = arith.sitofp %convert_element_type3A_782 : vector<128x128xi32> to vector<128x128xf32>
    %mul3A_784 = vector.broadcast %broadcast_in_dim3A_762 : vector<128x1xf32> to vector<128x512xf32>
    %mul3A_785 = arith.mulf %mul3A_784, %get3A_752 : vector<128x512xf32>
    %dot_general3A_786 = arith.constant dense<0.000000e+00> : vector<128x512xf32>
    %dot_general3A_787 = tpu.matmul %convert_element_type3A_783, %mul3A_785, %dot_general3A_786 {dimension_numbers = #tpu.dot_dimension_numbers<[1], [0], [0], [1], [0, 0, 1, 1], [], []>, transpose_lhs_hint = false} : vector<128x128xf32>, vector<128x512xf32>, vector<128x512xf32> -> vector<128x512xf32>
    %slice3A_788 = vector.extract_strided_slice %broadcast_in_dim3A_772 {offsets = [0, 0], sizes = [1, 1], strides = [1, 1]} : vector<128x1xf32> to vector<1x1xf32>
    %eq3A_789 = vector.broadcast %slice3A_788 : vector<1x1xf32> to vector<128x1xf32>
    %eq3A_790 = arith.cmpf oeq, %broadcast_in_dim3A_772, %eq3A_789 : vector<128x1xf32>
    %convert_element_type3A_791 = arith.extui %eq3A_790 : vector<128x1xi1> to vector<128x1xi32>
    %convert_element_type3A_792 = arith.sitofp %convert_element_type3A_791 : vector<128x1xi32> to vector<128x1xf32>
    %get3A_793 = arith.constant 8 : index
    %get3A_794 = arith.constant 0 : index
    %get3A_795 = vector.load %arg9[%get3A_793, %get3A_794] : memref<16x512xf32, #tpu.memory_space<vmem>>, vector<1x512xf32>
    %mul3A_796 = vector.broadcast %convert_element_type3A_792 : vector<128x1xf32> to vector<128x512xf32>
    %mul3A_797 = vector.broadcast %get3A_795 : vector<1x512xf32> to vector<128x512xf32>
    %mul3A_798 = arith.mulf %mul3A_796, %mul3A_797 : vector<128x512xf32>
    %add3A_799 = arith.addf %dot_general3A_787, %mul3A_798 : vector<128x512xf32>
    %gt3A_800 = arith.constant 0.000000e+00 : f32
    %gt3A_801 = vector.broadcast %gt3A_800 : f32 to vector<128x1xf32>
    %gt3A_802 = arith.cmpf ogt, %broadcast_in_dim3A_767, %gt3A_801 : vector<128x1xf32>
    %convert_element_type3A_803 = arith.extui %gt3A_802 : vector<128x1xi1> to vector<128x1xi32>
    %convert_element_type3A_804 = arith.sitofp %convert_element_type3A_803 : vector<128x1xi32> to vector<128x1xf32>
    %mul3A_805 = vector.broadcast %convert_element_type3A_804 : vector<128x1xf32> to vector<128x512xf32>
    %mul3A_806 = arith.mulf %mul3A_805, %add3A_799 : vector<128x512xf32>
    %mul3A_807 = vector.broadcast %broadcast_in_dim3A_767 : vector<128x1xf32> to vector<128x512xf32>
    %mul3A_808 = arith.mulf %mul3A_807, %get3A_752 : vector<128x512xf32>
    %add3A_809 = arith.addf %mul3A_806, %mul3A_808 : vector<128x512xf32>
    %swap3A_810 = arith.constant 8 : index
    %swap3A_811 = arith.constant 0 : index
    %swap3A_812 = arith.constant 0 : index
    %swap3A_813 = vector.load %arg6[%swap3A_810, %swap3A_811, %swap3A_812] : memref<16x128x512xf32, #tpu.memory_space<vmem>>, vector<1x128x512xf32>
    %swap3A_814 = vector.shape_cast %swap3A_813 : vector<1x128x512xf32> to vector<128x512xf32>
    %swap3A_815 = vector.shape_cast %add3A_809 : vector<128x512xf32> to vector<1x128x512xf32>
    tpu.vector_store %arg6[%swap3A_810, %swap3A_811, %swap3A_812], %swap3A_815 {strides = array<i32>} : memref<16x128x512xf32, #tpu.memory_space<vmem>>, vector<1x128x512xf32>,
    %slice3A_816 = vector.extract_strided_slice %get3A_777 {offsets = [0, 127], sizes = [1, 1], strides = [1, 1]} : vector<1x128xf32> to vector<1x1xf32>
    %eq3A_817 = vector.broadcast %slice3A_816 : vector<1x1xf32> to vector<1x128xf32>
    %eq3A_818 = arith.cmpf oeq, %get3A_777, %eq3A_817 : vector<1x128xf32>
    %convert_element_type3A_819 = arith.extui %eq3A_818 : vector<1x128xi1> to vector<1x128xi32>
    %convert_element_type3A_820 = arith.sitofp %convert_element_type3A_819 : vector<1x128xi32> to vector<1x128xf32>
    %dot_general3A_821 = arith.constant dense<0.000000e+00> : vector<1x512xf32>
    %dot_general3A_822 = tpu.matmul %convert_element_type3A_820, %mul3A_785, %dot_general3A_821 {dimension_numbers = #tpu.dot_dimension_numbers<[1], [0], [0], [1], [0, 0, 1, 1], [], []>, transpose_lhs_hint = false} : vector<1x128xf32>, vector<128x512xf32>, vector<1x512xf32> -> vector<1x512xf32>
    %eq3A_823 = arith.cmpf oeq, %slice3A_816, %slice3A_788 : vector<1x1xf32>
    %convert_element_type3A_824 = arith.extui %eq3A_823 : vector<1x1xi1> to vector<1x1xi32>
    %convert_element_type3A_825 = arith.sitofp %convert_element_type3A_824 : vector<1x1xi32> to vector<1x1xf32>
    %mul3A_826 = vector.broadcast %convert_element_type3A_825 : vector<1x1xf32> to vector<1x512xf32>
    %mul3A_827 = arith.mulf %mul3A_826, %get3A_795 : vector<1x512xf32>
    %add3A_828 = arith.addf %dot_general3A_822, %mul3A_827 : vector<1x512xf32>
    %swap3A_829 = arith.constant 8 : index
    %swap3A_830 = arith.constant 0 : index
    %swap3A_831 = vector.load %arg9[%swap3A_829, %swap3A_830] : memref<16x512xf32, #tpu.memory_space<vmem>>, vector<1x512xf32>
    tpu.vector_store %arg9[%swap3A_829, %swap3A_830], %add3A_828 {strides = array<i32>} : memref<16x512xf32, #tpu.memory_space<vmem>>, vector<1x512xf32>,
    %get3A_832 = arith.index_cast %select_n3A_59 : i32 to index
    %get3A_833 = arith.constant 0 : index
    %get3A_834 = arith.constant 9 : index
    %get3A_835 = arith.constant 0 : index
    %get3A_836 = vector.load %arg7[%get3A_832, %get3A_833, %get3A_834, %get3A_835] : memref<3x128x16x512xf32, #tpu.memory_space<vmem>>, vector<1x128x1x512xf32>
    %get3A_837 = vector.shape_cast %get3A_836 : vector<1x128x1x512xf32> to vector<128x512xf32>
    %eq3A_838 = arith.constant 9 : i32
    %eq3A_839 = vector.broadcast %eq3A_838 : i32 to vector<1x16xi32>
    %eq3A_840 = arith.cmpi eq, %iota3A, %eq3A_839 : vector<1x16xi32>
    %convert_element_type3A_841 = arith.extui %eq3A_840 : vector<1x16xi1> to vector<1x16xi32>
    %convert_element_type3A_842 = arith.sitofp %convert_element_type3A_841 : vector<1x16xi32> to vector<1x16xf32>
    %mul3A_843 = vector.broadcast %convert_element_type3A_842 : vector<1x16xf32> to vector<128x16xf32>
    %mul3A_844 = arith.mulf %get3A_61, %mul3A_843 : vector<128x16xf32>
    %reduce_sum3A_845 = arith.constant dense<0.000000e+00> : vector<128xf32>
    %reduce_sum3A_846 = vector.multi_reduction <add>, %mul3A_844, %reduce_sum3A_845 [1] : vector<128x16xf32> to vector<128xf32>
    %broadcast_in_dim3A_847 = vector.shape_cast %reduce_sum3A_846 : vector<128xf32> to vector<128x1xf32>
    %mul3A_848 = vector.broadcast %convert_element_type3A_842 : vector<1x16xf32> to vector<128x16xf32>
    %mul3A_849 = arith.mulf %get3A_64, %mul3A_848 : vector<128x16xf32>
    %reduce_sum3A_850 = arith.constant dense<0.000000e+00> : vector<128xf32>
    %reduce_sum3A_851 = vector.multi_reduction <add>, %mul3A_849, %reduce_sum3A_850 [1] : vector<128x16xf32> to vector<128xf32>
    %broadcast_in_dim3A_852 = vector.shape_cast %reduce_sum3A_851 : vector<128xf32> to vector<128x1xf32>
    %mul3A_853 = vector.broadcast %convert_element_type3A_842 : vector<1x16xf32> to vector<128x16xf32>
    %mul3A_854 = arith.mulf %get3A_67, %mul3A_853 : vector<128x16xf32>
    %reduce_sum3A_855 = arith.constant dense<0.000000e+00> : vector<128xf32>
    %reduce_sum3A_856 = vector.multi_reduction <add>, %mul3A_854, %reduce_sum3A_855 [1] : vector<128x16xf32> to vector<128xf32>
    %broadcast_in_dim3A_857 = vector.shape_cast %reduce_sum3A_856 : vector<128xf32> to vector<128x1xf32>
    %get3A_858 = arith.constant 0 : index
    %get3A_859 = arith.constant 9 : index
    %get3A_860 = arith.constant 0 : index
    %get3A_861 = vector.load %arg5[%get3A_858, %get3A_859, %get3A_860] : memref<1x16x128xf32, #tpu.memory_space<vmem>>, vector<1x1x128xf32>
    %get3A_862 = vector.shape_cast %get3A_861 : vector<1x1x128xf32> to vector<1x128xf32>
    %eq3A_863 = vector.broadcast %broadcast_in_dim3A_857 : vector<128x1xf32> to vector<128x128xf32>
    %eq3A_864 = vector.broadcast %get3A_862 : vector<1x128xf32> to vector<128x128xf32>
    %eq3A_865 = arith.cmpf oeq, %eq3A_863, %eq3A_864 : vector<128x128xf32>
    %and3A_866 = arith.andi %lt3A_72, %eq3A_865 : vector<128x128xi1>
    %convert_element_type3A_867 = arith.extui %and3A_866 : vector<128x128xi1> to vector<128x128xi32>
    %convert_element_type3A_868 = arith.sitofp %convert_element_type3A_867 : vector<128x128xi32> to vector<128x128xf32>
    %mul3A_869 = vector.broadcast %broadcast_in_dim3A_847 : vector<128x1xf32> to vector<128x512xf32>
    %mul3A_870 = arith.mulf %mul3A_869, %get3A_837 : vector<128x512xf32>
    %dot_general3A_871 = arith.constant dense<0.000000e+00> : vector<128x512xf32>
    %dot_general3A_872 = tpu.matmul %convert_element_type3A_868, %mul3A_870, %dot_general3A_871 {dimension_numbers = #tpu.dot_dimension_numbers<[1], [0], [0], [1], [0, 0, 1, 1], [], []>, transpose_lhs_hint = false} : vector<128x128xf32>, vector<128x512xf32>, vector<128x512xf32> -> vector<128x512xf32>
    %slice3A_873 = vector.extract_strided_slice %broadcast_in_dim3A_857 {offsets = [0, 0], sizes = [1, 1], strides = [1, 1]} : vector<128x1xf32> to vector<1x1xf32>
    %eq3A_874 = vector.broadcast %slice3A_873 : vector<1x1xf32> to vector<128x1xf32>
    %eq3A_875 = arith.cmpf oeq, %broadcast_in_dim3A_857, %eq3A_874 : vector<128x1xf32>
    %convert_element_type3A_876 = arith.extui %eq3A_875 : vector<128x1xi1> to vector<128x1xi32>
    %convert_element_type3A_877 = arith.sitofp %convert_element_type3A_876 : vector<128x1xi32> to vector<128x1xf32>
    %get3A_878 = arith.constant 9 : index
    %get3A_879 = arith.constant 0 : index
    %get3A_880 = vector.load %arg9[%get3A_878, %get3A_879] : memref<16x512xf32, #tpu.memory_space<vmem>>, vector<1x512xf32>
    %mul3A_881 = vector.broadcast %convert_element_type3A_877 : vector<128x1xf32> to vector<128x512xf32>
    %mul3A_882 = vector.broadcast %get3A_880 : vector<1x512xf32> to vector<128x512xf32>
    %mul3A_883 = arith.mulf %mul3A_881, %mul3A_882 : vector<128x512xf32>
    %add3A_884 = arith.addf %dot_general3A_872, %mul3A_883 : vector<128x512xf32>
    %gt3A_885 = arith.constant 0.000000e+00 : f32
    %gt3A_886 = vector.broadcast %gt3A_885 : f32 to vector<128x1xf32>
    %gt3A_887 = arith.cmpf ogt, %broadcast_in_dim3A_852, %gt3A_886 : vector<128x1xf32>
    %convert_element_type3A_888 = arith.extui %gt3A_887 : vector<128x1xi1> to vector<128x1xi32>
    %convert_element_type3A_889 = arith.sitofp %convert_element_type3A_888 : vector<128x1xi32> to vector<128x1xf32>
    %mul3A_890 = vector.broadcast %convert_element_type3A_889 : vector<128x1xf32> to vector<128x512xf32>
    %mul3A_891 = arith.mulf %mul3A_890, %add3A_884 : vector<128x512xf32>
    %mul3A_892 = vector.broadcast %broadcast_in_dim3A_852 : vector<128x1xf32> to vector<128x512xf32>
    %mul3A_893 = arith.mulf %mul3A_892, %get3A_837 : vector<128x512xf32>
    %add3A_894 = arith.addf %mul3A_891, %mul3A_893 : vector<128x512xf32>
    %swap3A_895 = arith.constant 9 : index
    %swap3A_896 = arith.constant 0 : index
    %swap3A_897 = arith.constant 0 : index
    %swap3A_898 = vector.load %arg6[%swap3A_895, %swap3A_896, %swap3A_897] : memref<16x128x512xf32, #tpu.memory_space<vmem>>, vector<1x128x512xf32>
    %swap3A_899 = vector.shape_cast %swap3A_898 : vector<1x128x512xf32> to vector<128x512xf32>
    %swap3A_900 = vector.shape_cast %add3A_894 : vector<128x512xf32> to vector<1x128x512xf32>
    tpu.vector_store %arg6[%swap3A_895, %swap3A_896, %swap3A_897], %swap3A_900 {strides = array<i32>} : memref<16x128x512xf32, #tpu.memory_space<vmem>>, vector<1x128x512xf32>,
    %slice3A_901 = vector.extract_strided_slice %get3A_862 {offsets = [0, 127], sizes = [1, 1], strides = [1, 1]} : vector<1x128xf32> to vector<1x1xf32>
    %eq3A_902 = vector.broadcast %slice3A_901 : vector<1x1xf32> to vector<1x128xf32>
    %eq3A_903 = arith.cmpf oeq, %get3A_862, %eq3A_902 : vector<1x128xf32>
    %convert_element_type3A_904 = arith.extui %eq3A_903 : vector<1x128xi1> to vector<1x128xi32>
    %convert_element_type3A_905 = arith.sitofp %convert_element_type3A_904 : vector<1x128xi32> to vector<1x128xf32>
    %dot_general3A_906 = arith.constant dense<0.000000e+00> : vector<1x512xf32>
    %dot_general3A_907 = tpu.matmul %convert_element_type3A_905, %mul3A_870, %dot_general3A_906 {dimension_numbers = #tpu.dot_dimension_numbers<[1], [0], [0], [1], [0, 0, 1, 1], [], []>, transpose_lhs_hint = false} : vector<1x128xf32>, vector<128x512xf32>, vector<1x512xf32> -> vector<1x512xf32>
    %eq3A_908 = arith.cmpf oeq, %slice3A_901, %slice3A_873 : vector<1x1xf32>
    %convert_element_type3A_909 = arith.extui %eq3A_908 : vector<1x1xi1> to vector<1x1xi32>
    %convert_element_type3A_910 = arith.sitofp %convert_element_type3A_909 : vector<1x1xi32> to vector<1x1xf32>
    %mul3A_911 = vector.broadcast %convert_element_type3A_910 : vector<1x1xf32> to vector<1x512xf32>
    %mul3A_912 = arith.mulf %mul3A_911, %get3A_880 : vector<1x512xf32>
    %add3A_913 = arith.addf %dot_general3A_907, %mul3A_912 : vector<1x512xf32>
    %swap3A_914 = arith.constant 9 : index
    %swap3A_915 = arith.constant 0 : index
    %swap3A_916 = vector.load %arg9[%swap3A_914, %swap3A_915] : memref<16x512xf32, #tpu.memory_space<vmem>>, vector<1x512xf32>
    tpu.vector_store %arg9[%swap3A_914, %swap3A_915], %add3A_913 {strides = array<i32>} : memref<16x512xf32, #tpu.memory_space<vmem>>, vector<1x512xf32>,
    %get3A_917 = arith.index_cast %select_n3A_59 : i32 to index
    %get3A_918 = arith.constant 0 : index
    %get3A_919 = arith.constant 10 : index
    %get3A_920 = arith.constant 0 : index
    %get3A_921 = vector.load %arg7[%get3A_917, %get3A_918, %get3A_919, %get3A_920] : memref<3x128x16x512xf32, #tpu.memory_space<vmem>>, vector<1x128x1x512xf32>
    %get3A_922 = vector.shape_cast %get3A_921 : vector<1x128x1x512xf32> to vector<128x512xf32>
    %eq3A_923 = arith.constant 10 : i32
    %eq3A_924 = vector.broadcast %eq3A_923 : i32 to vector<1x16xi32>
    %eq3A_925 = arith.cmpi eq, %iota3A, %eq3A_924 : vector<1x16xi32>
    %convert_element_type3A_926 = arith.extui %eq3A_925 : vector<1x16xi1> to vector<1x16xi32>
    %convert_element_type3A_927 = arith.sitofp %convert_element_type3A_926 : vector<1x16xi32> to vector<1x16xf32>
    %mul3A_928 = vector.broadcast %convert_element_type3A_927 : vector<1x16xf32> to vector<128x16xf32>
    %mul3A_929 = arith.mulf %get3A_61, %mul3A_928 : vector<128x16xf32>
    %reduce_sum3A_930 = arith.constant dense<0.000000e+00> : vector<128xf32>
    %reduce_sum3A_931 = vector.multi_reduction <add>, %mul3A_929, %reduce_sum3A_930 [1] : vector<128x16xf32> to vector<128xf32>
    %broadcast_in_dim3A_932 = vector.shape_cast %reduce_sum3A_931 : vector<128xf32> to vector<128x1xf32>
    %mul3A_933 = vector.broadcast %convert_element_type3A_927 : vector<1x16xf32> to vector<128x16xf32>
    %mul3A_934 = arith.mulf %get3A_64, %mul3A_933 : vector<128x16xf32>
    %reduce_sum3A_935 = arith.constant dense<0.000000e+00> : vector<128xf32>
    %reduce_sum3A_936 = vector.multi_reduction <add>, %mul3A_934, %reduce_sum3A_935 [1] : vector<128x16xf32> to vector<128xf32>
    %broadcast_in_dim3A_937 = vector.shape_cast %reduce_sum3A_936 : vector<128xf32> to vector<128x1xf32>
    %mul3A_938 = vector.broadcast %convert_element_type3A_927 : vector<1x16xf32> to vector<128x16xf32>
    %mul3A_939 = arith.mulf %get3A_67, %mul3A_938 : vector<128x16xf32>
    %reduce_sum3A_940 = arith.constant dense<0.000000e+00> : vector<128xf32>
    %reduce_sum3A_941 = vector.multi_reduction <add>, %mul3A_939, %reduce_sum3A_940 [1] : vector<128x16xf32> to vector<128xf32>
    %broadcast_in_dim3A_942 = vector.shape_cast %reduce_sum3A_941 : vector<128xf32> to vector<128x1xf32>
    %get3A_943 = arith.constant 0 : index
    %get3A_944 = arith.constant 10 : index
    %get3A_945 = arith.constant 0 : index
    %get3A_946 = vector.load %arg5[%get3A_943, %get3A_944, %get3A_945] : memref<1x16x128xf32, #tpu.memory_space<vmem>>, vector<1x1x128xf32>
    %get3A_947 = vector.shape_cast %get3A_946 : vector<1x1x128xf32> to vector<1x128xf32>
    %eq3A_948 = vector.broadcast %broadcast_in_dim3A_942 : vector<128x1xf32> to vector<128x128xf32>
    %eq3A_949 = vector.broadcast %get3A_947 : vector<1x128xf32> to vector<128x128xf32>
    %eq3A_950 = arith.cmpf oeq, %eq3A_948, %eq3A_949 : vector<128x128xf32>
    %and3A_951 = arith.andi %lt3A_72, %eq3A_950 : vector<128x128xi1>
    %convert_element_type3A_952 = arith.extui %and3A_951 : vector<128x128xi1> to vector<128x128xi32>
    %convert_element_type3A_953 = arith.sitofp %convert_element_type3A_952 : vector<128x128xi32> to vector<128x128xf32>
    %mul3A_954 = vector.broadcast %broadcast_in_dim3A_932 : vector<128x1xf32> to vector<128x512xf32>
    %mul3A_955 = arith.mulf %mul3A_954, %get3A_922 : vector<128x512xf32>
    %dot_general3A_956 = arith.constant dense<0.000000e+00> : vector<128x512xf32>
    %dot_general3A_957 = tpu.matmul %convert_element_type3A_953, %mul3A_955, %dot_general3A_956 {dimension_numbers = #tpu.dot_dimension_numbers<[1], [0], [0], [1], [0, 0, 1, 1], [], []>, transpose_lhs_hint = false} : vector<128x128xf32>, vector<128x512xf32>, vector<128x512xf32> -> vector<128x512xf32>
    %slice3A_958 = vector.extract_strided_slice %broadcast_in_dim3A_942 {offsets = [0, 0], sizes = [1, 1], strides = [1, 1]} : vector<128x1xf32> to vector<1x1xf32>
    %eq3A_959 = vector.broadcast %slice3A_958 : vector<1x1xf32> to vector<128x1xf32>
    %eq3A_960 = arith.cmpf oeq, %broadcast_in_dim3A_942, %eq3A_959 : vector<128x1xf32>
    %convert_element_type3A_961 = arith.extui %eq3A_960 : vector<128x1xi1> to vector<128x1xi32>
    %convert_element_type3A_962 = arith.sitofp %convert_element_type3A_961 : vector<128x1xi32> to vector<128x1xf32>
    %get3A_963 = arith.constant 10 : index
    %get3A_964 = arith.constant 0 : index
    %get3A_965 = vector.load %arg9[%get3A_963, %get3A_964] : memref<16x512xf32, #tpu.memory_space<vmem>>, vector<1x512xf32>
    %mul3A_966 = vector.broadcast %convert_element_type3A_962 : vector<128x1xf32> to vector<128x512xf32>
    %mul3A_967 = vector.broadcast %get3A_965 : vector<1x512xf32> to vector<128x512xf32>
    %mul3A_968 = arith.mulf %mul3A_966, %mul3A_967 : vector<128x512xf32>
    %add3A_969 = arith.addf %dot_general3A_957, %mul3A_968 : vector<128x512xf32>
    %gt3A_970 = arith.constant 0.000000e+00 : f32
    %gt3A_971 = vector.broadcast %gt3A_970 : f32 to vector<128x1xf32>
    %gt3A_972 = arith.cmpf ogt, %broadcast_in_dim3A_937, %gt3A_971 : vector<128x1xf32>
    %convert_element_type3A_973 = arith.extui %gt3A_972 : vector<128x1xi1> to vector<128x1xi32>
    %convert_element_type3A_974 = arith.sitofp %convert_element_type3A_973 : vector<128x1xi32> to vector<128x1xf32>
    %mul3A_975 = vector.broadcast %convert_element_type3A_974 : vector<128x1xf32> to vector<128x512xf32>
    %mul3A_976 = arith.mulf %mul3A_975, %add3A_969 : vector<128x512xf32>
    %mul3A_977 = vector.broadcast %broadcast_in_dim3A_937 : vector<128x1xf32> to vector<128x512xf32>
    %mul3A_978 = arith.mulf %mul3A_977, %get3A_922 : vector<128x512xf32>
    %add3A_979 = arith.addf %mul3A_976, %mul3A_978 : vector<128x512xf32>
    %swap3A_980 = arith.constant 10 : index
    %swap3A_981 = arith.constant 0 : index
    %swap3A_982 = arith.constant 0 : index
    %swap3A_983 = vector.load %arg6[%swap3A_980, %swap3A_981, %swap3A_982] : memref<16x128x512xf32, #tpu.memory_space<vmem>>, vector<1x128x512xf32>
    %swap3A_984 = vector.shape_cast %swap3A_983 : vector<1x128x512xf32> to vector<128x512xf32>
    %swap3A_985 = vector.shape_cast %add3A_979 : vector<128x512xf32> to vector<1x128x512xf32>
    tpu.vector_store %arg6[%swap3A_980, %swap3A_981, %swap3A_982], %swap3A_985 {strides = array<i32>} : memref<16x128x512xf32, #tpu.memory_space<vmem>>, vector<1x128x512xf32>,
    %slice3A_986 = vector.extract_strided_slice %get3A_947 {offsets = [0, 127], sizes = [1, 1], strides = [1, 1]} : vector<1x128xf32> to vector<1x1xf32>
    %eq3A_987 = vector.broadcast %slice3A_986 : vector<1x1xf32> to vector<1x128xf32>
    %eq3A_988 = arith.cmpf oeq, %get3A_947, %eq3A_987 : vector<1x128xf32>
    %convert_element_type3A_989 = arith.extui %eq3A_988 : vector<1x128xi1> to vector<1x128xi32>
    %convert_element_type3A_990 = arith.sitofp %convert_element_type3A_989 : vector<1x128xi32> to vector<1x128xf32>
    %dot_general3A_991 = arith.constant dense<0.000000e+00> : vector<1x512xf32>
    %dot_general3A_992 = tpu.matmul %convert_element_type3A_990, %mul3A_955, %dot_general3A_991 {dimension_numbers = #tpu.dot_dimension_numbers<[1], [0], [0], [1], [0, 0, 1, 1], [], []>, transpose_lhs_hint = false} : vector<1x128xf32>, vector<128x512xf32>, vector<1x512xf32> -> vector<1x512xf32>
    %eq3A_993 = arith.cmpf oeq, %slice3A_986, %slice3A_958 : vector<1x1xf32>
    %convert_element_type3A_994 = arith.extui %eq3A_993 : vector<1x1xi1> to vector<1x1xi32>
    %convert_element_type3A_995 = arith.sitofp %convert_element_type3A_994 : vector<1x1xi32> to vector<1x1xf32>
    %mul3A_996 = vector.broadcast %convert_element_type3A_995 : vector<1x1xf32> to vector<1x512xf32>
    %mul3A_997 = arith.mulf %mul3A_996, %get3A_965 : vector<1x512xf32>
    %add3A_998 = arith.addf %dot_general3A_992, %mul3A_997 : vector<1x512xf32>
    %swap3A_999 = arith.constant 10 : index
    %swap3A_1000 = arith.constant 0 : index
    %swap3A_1001 = vector.load %arg9[%swap3A_999, %swap3A_1000] : memref<16x512xf32, #tpu.memory_space<vmem>>, vector<1x512xf32>
    tpu.vector_store %arg9[%swap3A_999, %swap3A_1000], %add3A_998 {strides = array<i32>} : memref<16x512xf32, #tpu.memory_space<vmem>>, vector<1x512xf32>,
    %get3A_1002 = arith.index_cast %select_n3A_59 : i32 to index
    %get3A_1003 = arith.constant 0 : index
    %get3A_1004 = arith.constant 11 : index
    %get3A_1005 = arith.constant 0 : index
    %get3A_1006 = vector.load %arg7[%get3A_1002, %get3A_1003, %get3A_1004, %get3A_1005] : memref<3x128x16x512xf32, #tpu.memory_space<vmem>>, vector<1x128x1x512xf32>
    %get3A_1007 = vector.shape_cast %get3A_1006 : vector<1x128x1x512xf32> to vector<128x512xf32>
    %eq3A_1008 = arith.constant 11 : i32
    %eq3A_1009 = vector.broadcast %eq3A_1008 : i32 to vector<1x16xi32>
    %eq3A_1010 = arith.cmpi eq, %iota3A, %eq3A_1009 : vector<1x16xi32>
    %convert_element_type3A_1011 = arith.extui %eq3A_1010 : vector<1x16xi1> to vector<1x16xi32>
    %convert_element_type3A_1012 = arith.sitofp %convert_element_type3A_1011 : vector<1x16xi32> to vector<1x16xf32>
    %mul3A_1013 = vector.broadcast %convert_element_type3A_1012 : vector<1x16xf32> to vector<128x16xf32>
    %mul3A_1014 = arith.mulf %get3A_61, %mul3A_1013 : vector<128x16xf32>
    %reduce_sum3A_1015 = arith.constant dense<0.000000e+00> : vector<128xf32>
    %reduce_sum3A_1016 = vector.multi_reduction <add>, %mul3A_1014, %reduce_sum3A_1015 [1] : vector<128x16xf32> to vector<128xf32>
    %broadcast_in_dim3A_1017 = vector.shape_cast %reduce_sum3A_1016 : vector<128xf32> to vector<128x1xf32>
    %mul3A_1018 = vector.broadcast %convert_element_type3A_1012 : vector<1x16xf32> to vector<128x16xf32>
    %mul3A_1019 = arith.mulf %get3A_64, %mul3A_1018 : vector<128x16xf32>
    %reduce_sum3A_1020 = arith.constant dense<0.000000e+00> : vector<128xf32>
    %reduce_sum3A_1021 = vector.multi_reduction <add>, %mul3A_1019, %reduce_sum3A_1020 [1] : vector<128x16xf32> to vector<128xf32>
    %broadcast_in_dim3A_1022 = vector.shape_cast %reduce_sum3A_1021 : vector<128xf32> to vector<128x1xf32>
    %mul3A_1023 = vector.broadcast %convert_element_type3A_1012 : vector<1x16xf32> to vector<128x16xf32>
    %mul3A_1024 = arith.mulf %get3A_67, %mul3A_1023 : vector<128x16xf32>
    %reduce_sum3A_1025 = arith.constant dense<0.000000e+00> : vector<128xf32>
    %reduce_sum3A_1026 = vector.multi_reduction <add>, %mul3A_1024, %reduce_sum3A_1025 [1] : vector<128x16xf32> to vector<128xf32>
    %broadcast_in_dim3A_1027 = vector.shape_cast %reduce_sum3A_1026 : vector<128xf32> to vector<128x1xf32>
    %get3A_1028 = arith.constant 0 : index
    %get3A_1029 = arith.constant 11 : index
    %get3A_1030 = arith.constant 0 : index
    %get3A_1031 = vector.load %arg5[%get3A_1028, %get3A_1029, %get3A_1030] : memref<1x16x128xf32, #tpu.memory_space<vmem>>, vector<1x1x128xf32>
    %get3A_1032 = vector.shape_cast %get3A_1031 : vector<1x1x128xf32> to vector<1x128xf32>
    %eq3A_1033 = vector.broadcast %broadcast_in_dim3A_1027 : vector<128x1xf32> to vector<128x128xf32>
    %eq3A_1034 = vector.broadcast %get3A_1032 : vector<1x128xf32> to vector<128x128xf32>
    %eq3A_1035 = arith.cmpf oeq, %eq3A_1033, %eq3A_1034 : vector<128x128xf32>
    %and3A_1036 = arith.andi %lt3A_72, %eq3A_1035 : vector<128x128xi1>
    %convert_element_type3A_1037 = arith.extui %and3A_1036 : vector<128x128xi1> to vector<128x128xi32>
    %convert_element_type3A_1038 = arith.sitofp %convert_element_type3A_1037 : vector<128x128xi32> to vector<128x128xf32>
    %mul3A_1039 = vector.broadcast %broadcast_in_dim3A_1017 : vector<128x1xf32> to vector<128x512xf32>
    %mul3A_1040 = arith.mulf %mul3A_1039, %get3A_1007 : vector<128x512xf32>
    %dot_general3A_1041 = arith.constant dense<0.000000e+00> : vector<128x512xf32>
    %dot_general3A_1042 = tpu.matmul %convert_element_type3A_1038, %mul3A_1040, %dot_general3A_1041 {dimension_numbers = #tpu.dot_dimension_numbers<[1], [0], [0], [1], [0, 0, 1, 1], [], []>, transpose_lhs_hint = false} : vector<128x128xf32>, vector<128x512xf32>, vector<128x512xf32> -> vector<128x512xf32>
    %slice3A_1043 = vector.extract_strided_slice %broadcast_in_dim3A_1027 {offsets = [0, 0], sizes = [1, 1], strides = [1, 1]} : vector<128x1xf32> to vector<1x1xf32>
    %eq3A_1044 = vector.broadcast %slice3A_1043 : vector<1x1xf32> to vector<128x1xf32>
    %eq3A_1045 = arith.cmpf oeq, %broadcast_in_dim3A_1027, %eq3A_1044 : vector<128x1xf32>
    %convert_element_type3A_1046 = arith.extui %eq3A_1045 : vector<128x1xi1> to vector<128x1xi32>
    %convert_element_type3A_1047 = arith.sitofp %convert_element_type3A_1046 : vector<128x1xi32> to vector<128x1xf32>
    %get3A_1048 = arith.constant 11 : index
    %get3A_1049 = arith.constant 0 : index
    %get3A_1050 = vector.load %arg9[%get3A_1048, %get3A_1049] : memref<16x512xf32, #tpu.memory_space<vmem>>, vector<1x512xf32>
    %mul3A_1051 = vector.broadcast %convert_element_type3A_1047 : vector<128x1xf32> to vector<128x512xf32>
    %mul3A_1052 = vector.broadcast %get3A_1050 : vector<1x512xf32> to vector<128x512xf32>
    %mul3A_1053 = arith.mulf %mul3A_1051, %mul3A_1052 : vector<128x512xf32>
    %add3A_1054 = arith.addf %dot_general3A_1042, %mul3A_1053 : vector<128x512xf32>
    %gt3A_1055 = arith.constant 0.000000e+00 : f32
    %gt3A_1056 = vector.broadcast %gt3A_1055 : f32 to vector<128x1xf32>
    %gt3A_1057 = arith.cmpf ogt, %broadcast_in_dim3A_1022, %gt3A_1056 : vector<128x1xf32>
    %convert_element_type3A_1058 = arith.extui %gt3A_1057 : vector<128x1xi1> to vector<128x1xi32>
    %convert_element_type3A_1059 = arith.sitofp %convert_element_type3A_1058 : vector<128x1xi32> to vector<128x1xf32>
    %mul3A_1060 = vector.broadcast %convert_element_type3A_1059 : vector<128x1xf32> to vector<128x512xf32>
    %mul3A_1061 = arith.mulf %mul3A_1060, %add3A_1054 : vector<128x512xf32>
    %mul3A_1062 = vector.broadcast %broadcast_in_dim3A_1022 : vector<128x1xf32> to vector<128x512xf32>
    %mul3A_1063 = arith.mulf %mul3A_1062, %get3A_1007 : vector<128x512xf32>
    %add3A_1064 = arith.addf %mul3A_1061, %mul3A_1063 : vector<128x512xf32>
    %swap3A_1065 = arith.constant 11 : index
    %swap3A_1066 = arith.constant 0 : index
    %swap3A_1067 = arith.constant 0 : index
    %swap3A_1068 = vector.load %arg6[%swap3A_1065, %swap3A_1066, %swap3A_1067] : memref<16x128x512xf32, #tpu.memory_space<vmem>>, vector<1x128x512xf32>
    %swap3A_1069 = vector.shape_cast %swap3A_1068 : vector<1x128x512xf32> to vector<128x512xf32>
    %swap3A_1070 = vector.shape_cast %add3A_1064 : vector<128x512xf32> to vector<1x128x512xf32>
    tpu.vector_store %arg6[%swap3A_1065, %swap3A_1066, %swap3A_1067], %swap3A_1070 {strides = array<i32>} : memref<16x128x512xf32, #tpu.memory_space<vmem>>, vector<1x128x512xf32>,
    %slice3A_1071 = vector.extract_strided_slice %get3A_1032 {offsets = [0, 127], sizes = [1, 1], strides = [1, 1]} : vector<1x128xf32> to vector<1x1xf32>
    %eq3A_1072 = vector.broadcast %slice3A_1071 : vector<1x1xf32> to vector<1x128xf32>
    %eq3A_1073 = arith.cmpf oeq, %get3A_1032, %eq3A_1072 : vector<1x128xf32>
    %convert_element_type3A_1074 = arith.extui %eq3A_1073 : vector<1x128xi1> to vector<1x128xi32>
    %convert_element_type3A_1075 = arith.sitofp %convert_element_type3A_1074 : vector<1x128xi32> to vector<1x128xf32>
    %dot_general3A_1076 = arith.constant dense<0.000000e+00> : vector<1x512xf32>
    %dot_general3A_1077 = tpu.matmul %convert_element_type3A_1075, %mul3A_1040, %dot_general3A_1076 {dimension_numbers = #tpu.dot_dimension_numbers<[1], [0], [0], [1], [0, 0, 1, 1], [], []>, transpose_lhs_hint = false} : vector<1x128xf32>, vector<128x512xf32>, vector<1x512xf32> -> vector<1x512xf32>
    %eq3A_1078 = arith.cmpf oeq, %slice3A_1071, %slice3A_1043 : vector<1x1xf32>
    %convert_element_type3A_1079 = arith.extui %eq3A_1078 : vector<1x1xi1> to vector<1x1xi32>
    %convert_element_type3A_1080 = arith.sitofp %convert_element_type3A_1079 : vector<1x1xi32> to vector<1x1xf32>
    %mul3A_1081 = vector.broadcast %convert_element_type3A_1080 : vector<1x1xf32> to vector<1x512xf32>
    %mul3A_1082 = arith.mulf %mul3A_1081, %get3A_1050 : vector<1x512xf32>
    %add3A_1083 = arith.addf %dot_general3A_1077, %mul3A_1082 : vector<1x512xf32>
    %swap3A_1084 = arith.constant 11 : index
    %swap3A_1085 = arith.constant 0 : index
    %swap3A_1086 = vector.load %arg9[%swap3A_1084, %swap3A_1085] : memref<16x512xf32, #tpu.memory_space<vmem>>, vector<1x512xf32>
    tpu.vector_store %arg9[%swap3A_1084, %swap3A_1085], %add3A_1083 {strides = array<i32>} : memref<16x512xf32, #tpu.memory_space<vmem>>, vector<1x512xf32>,
    %get3A_1087 = arith.index_cast %select_n3A_59 : i32 to index
    %get3A_1088 = arith.constant 0 : index
    %get3A_1089 = arith.constant 12 : index
    %get3A_1090 = arith.constant 0 : index
    %get3A_1091 = vector.load %arg7[%get3A_1087, %get3A_1088, %get3A_1089, %get3A_1090] : memref<3x128x16x512xf32, #tpu.memory_space<vmem>>, vector<1x128x1x512xf32>
    %get3A_1092 = vector.shape_cast %get3A_1091 : vector<1x128x1x512xf32> to vector<128x512xf32>
    %eq3A_1093 = arith.constant 12 : i32
    %eq3A_1094 = vector.broadcast %eq3A_1093 : i32 to vector<1x16xi32>
    %eq3A_1095 = arith.cmpi eq, %iota3A, %eq3A_1094 : vector<1x16xi32>
    %convert_element_type3A_1096 = arith.extui %eq3A_1095 : vector<1x16xi1> to vector<1x16xi32>
    %convert_element_type3A_1097 = arith.sitofp %convert_element_type3A_1096 : vector<1x16xi32> to vector<1x16xf32>
    %mul3A_1098 = vector.broadcast %convert_element_type3A_1097 : vector<1x16xf32> to vector<128x16xf32>
    %mul3A_1099 = arith.mulf %get3A_61, %mul3A_1098 : vector<128x16xf32>
    %reduce_sum3A_1100 = arith.constant dense<0.000000e+00> : vector<128xf32>
    %reduce_sum3A_1101 = vector.multi_reduction <add>, %mul3A_1099, %reduce_sum3A_1100 [1] : vector<128x16xf32> to vector<128xf32>
    %broadcast_in_dim3A_1102 = vector.shape_cast %reduce_sum3A_1101 : vector<128xf32> to vector<128x1xf32>
    %mul3A_1103 = vector.broadcast %convert_element_type3A_1097 : vector<1x16xf32> to vector<128x16xf32>
    %mul3A_1104 = arith.mulf %get3A_64, %mul3A_1103 : vector<128x16xf32>
    %reduce_sum3A_1105 = arith.constant dense<0.000000e+00> : vector<128xf32>
    %reduce_sum3A_1106 = vector.multi_reduction <add>, %mul3A_1104, %reduce_sum3A_1105 [1] : vector<128x16xf32> to vector<128xf32>
    %broadcast_in_dim3A_1107 = vector.shape_cast %reduce_sum3A_1106 : vector<128xf32> to vector<128x1xf32>
    %mul3A_1108 = vector.broadcast %convert_element_type3A_1097 : vector<1x16xf32> to vector<128x16xf32>
    %mul3A_1109 = arith.mulf %get3A_67, %mul3A_1108 : vector<128x16xf32>
    %reduce_sum3A_1110 = arith.constant dense<0.000000e+00> : vector<128xf32>
    %reduce_sum3A_1111 = vector.multi_reduction <add>, %mul3A_1109, %reduce_sum3A_1110 [1] : vector<128x16xf32> to vector<128xf32>
    %broadcast_in_dim3A_1112 = vector.shape_cast %reduce_sum3A_1111 : vector<128xf32> to vector<128x1xf32>
    %get3A_1113 = arith.constant 0 : index
    %get3A_1114 = arith.constant 12 : index
    %get3A_1115 = arith.constant 0 : index
    %get3A_1116 = vector.load %arg5[%get3A_1113, %get3A_1114, %get3A_1115] : memref<1x16x128xf32, #tpu.memory_space<vmem>>, vector<1x1x128xf32>
    %get3A_1117 = vector.shape_cast %get3A_1116 : vector<1x1x128xf32> to vector<1x128xf32>
    %eq3A_1118 = vector.broadcast %broadcast_in_dim3A_1112 : vector<128x1xf32> to vector<128x128xf32>
    %eq3A_1119 = vector.broadcast %get3A_1117 : vector<1x128xf32> to vector<128x128xf32>
    %eq3A_1120 = arith.cmpf oeq, %eq3A_1118, %eq3A_1119 : vector<128x128xf32>
    %and3A_1121 = arith.andi %lt3A_72, %eq3A_1120 : vector<128x128xi1>
    %convert_element_type3A_1122 = arith.extui %and3A_1121 : vector<128x128xi1> to vector<128x128xi32>
    %convert_element_type3A_1123 = arith.sitofp %convert_element_type3A_1122 : vector<128x128xi32> to vector<128x128xf32>
    %mul3A_1124 = vector.broadcast %broadcast_in_dim3A_1102 : vector<128x1xf32> to vector<128x512xf32>
    %mul3A_1125 = arith.mulf %mul3A_1124, %get3A_1092 : vector<128x512xf32>
    %dot_general3A_1126 = arith.constant dense<0.000000e+00> : vector<128x512xf32>
    %dot_general3A_1127 = tpu.matmul %convert_element_type3A_1123, %mul3A_1125, %dot_general3A_1126 {dimension_numbers = #tpu.dot_dimension_numbers<[1], [0], [0], [1], [0, 0, 1, 1], [], []>, transpose_lhs_hint = false} : vector<128x128xf32>, vector<128x512xf32>, vector<128x512xf32> -> vector<128x512xf32>
    %slice3A_1128 = vector.extract_strided_slice %broadcast_in_dim3A_1112 {offsets = [0, 0], sizes = [1, 1], strides = [1, 1]} : vector<128x1xf32> to vector<1x1xf32>
    %eq3A_1129 = vector.broadcast %slice3A_1128 : vector<1x1xf32> to vector<128x1xf32>
    %eq3A_1130 = arith.cmpf oeq, %broadcast_in_dim3A_1112, %eq3A_1129 : vector<128x1xf32>
    %convert_element_type3A_1131 = arith.extui %eq3A_1130 : vector<128x1xi1> to vector<128x1xi32>
    %convert_element_type3A_1132 = arith.sitofp %convert_element_type3A_1131 : vector<128x1xi32> to vector<128x1xf32>
    %get3A_1133 = arith.constant 12 : index
    %get3A_1134 = arith.constant 0 : index
    %get3A_1135 = vector.load %arg9[%get3A_1133, %get3A_1134] : memref<16x512xf32, #tpu.memory_space<vmem>>, vector<1x512xf32>
    %mul3A_1136 = vector.broadcast %convert_element_type3A_1132 : vector<128x1xf32> to vector<128x512xf32>
    %mul3A_1137 = vector.broadcast %get3A_1135 : vector<1x512xf32> to vector<128x512xf32>
    %mul3A_1138 = arith.mulf %mul3A_1136, %mul3A_1137 : vector<128x512xf32>
    %add3A_1139 = arith.addf %dot_general3A_1127, %mul3A_1138 : vector<128x512xf32>
    %gt3A_1140 = arith.constant 0.000000e+00 : f32
    %gt3A_1141 = vector.broadcast %gt3A_1140 : f32 to vector<128x1xf32>
    %gt3A_1142 = arith.cmpf ogt, %broadcast_in_dim3A_1107, %gt3A_1141 : vector<128x1xf32>
    %convert_element_type3A_1143 = arith.extui %gt3A_1142 : vector<128x1xi1> to vector<128x1xi32>
    %convert_element_type3A_1144 = arith.sitofp %convert_element_type3A_1143 : vector<128x1xi32> to vector<128x1xf32>
    %mul3A_1145 = vector.broadcast %convert_element_type3A_1144 : vector<128x1xf32> to vector<128x512xf32>
    %mul3A_1146 = arith.mulf %mul3A_1145, %add3A_1139 : vector<128x512xf32>
    %mul3A_1147 = vector.broadcast %broadcast_in_dim3A_1107 : vector<128x1xf32> to vector<128x512xf32>
    %mul3A_1148 = arith.mulf %mul3A_1147, %get3A_1092 : vector<128x512xf32>
    %add3A_1149 = arith.addf %mul3A_1146, %mul3A_1148 : vector<128x512xf32>
    %swap3A_1150 = arith.constant 12 : index
    %swap3A_1151 = arith.constant 0 : index
    %swap3A_1152 = arith.constant 0 : index
    %swap3A_1153 = vector.load %arg6[%swap3A_1150, %swap3A_1151, %swap3A_1152] : memref<16x128x512xf32, #tpu.memory_space<vmem>>, vector<1x128x512xf32>
    %swap3A_1154 = vector.shape_cast %swap3A_1153 : vector<1x128x512xf32> to vector<128x512xf32>
    %swap3A_1155 = vector.shape_cast %add3A_1149 : vector<128x512xf32> to vector<1x128x512xf32>
    tpu.vector_store %arg6[%swap3A_1150, %swap3A_1151, %swap3A_1152], %swap3A_1155 {strides = array<i32>} : memref<16x128x512xf32, #tpu.memory_space<vmem>>, vector<1x128x512xf32>,
    %slice3A_1156 = vector.extract_strided_slice %get3A_1117 {offsets = [0, 127], sizes = [1, 1], strides = [1, 1]} : vector<1x128xf32> to vector<1x1xf32>
    %eq3A_1157 = vector.broadcast %slice3A_1156 : vector<1x1xf32> to vector<1x128xf32>
    %eq3A_1158 = arith.cmpf oeq, %get3A_1117, %eq3A_1157 : vector<1x128xf32>
    %convert_element_type3A_1159 = arith.extui %eq3A_1158 : vector<1x128xi1> to vector<1x128xi32>
    %convert_element_type3A_1160 = arith.sitofp %convert_element_type3A_1159 : vector<1x128xi32> to vector<1x128xf32>
    %dot_general3A_1161 = arith.constant dense<0.000000e+00> : vector<1x512xf32>
    %dot_general3A_1162 = tpu.matmul %convert_element_type3A_1160, %mul3A_1125, %dot_general3A_1161 {dimension_numbers = #tpu.dot_dimension_numbers<[1], [0], [0], [1], [0, 0, 1, 1], [], []>, transpose_lhs_hint = false} : vector<1x128xf32>, vector<128x512xf32>, vector<1x512xf32> -> vector<1x512xf32>
    %eq3A_1163 = arith.cmpf oeq, %slice3A_1156, %slice3A_1128 : vector<1x1xf32>
    %convert_element_type3A_1164 = arith.extui %eq3A_1163 : vector<1x1xi1> to vector<1x1xi32>
    %convert_element_type3A_1165 = arith.sitofp %convert_element_type3A_1164 : vector<1x1xi32> to vector<1x1xf32>
    %mul3A_1166 = vector.broadcast %convert_element_type3A_1165 : vector<1x1xf32> to vector<1x512xf32>
    %mul3A_1167 = arith.mulf %mul3A_1166, %get3A_1135 : vector<1x512xf32>
    %add3A_1168 = arith.addf %dot_general3A_1162, %mul3A_1167 : vector<1x512xf32>
    %swap3A_1169 = arith.constant 12 : index
    %swap3A_1170 = arith.constant 0 : index
    %swap3A_1171 = vector.load %arg9[%swap3A_1169, %swap3A_1170] : memref<16x512xf32, #tpu.memory_space<vmem>>, vector<1x512xf32>
    tpu.vector_store %arg9[%swap3A_1169, %swap3A_1170], %add3A_1168 {strides = array<i32>} : memref<16x512xf32, #tpu.memory_space<vmem>>, vector<1x512xf32>,
    %get3A_1172 = arith.index_cast %select_n3A_59 : i32 to index
    %get3A_1173 = arith.constant 0 : index
    %get3A_1174 = arith.constant 13 : index
    %get3A_1175 = arith.constant 0 : index
    %get3A_1176 = vector.load %arg7[%get3A_1172, %get3A_1173, %get3A_1174, %get3A_1175] : memref<3x128x16x512xf32, #tpu.memory_space<vmem>>, vector<1x128x1x512xf32>
    %get3A_1177 = vector.shape_cast %get3A_1176 : vector<1x128x1x512xf32> to vector<128x512xf32>
    %eq3A_1178 = arith.constant 13 : i32
    %eq3A_1179 = vector.broadcast %eq3A_1178 : i32 to vector<1x16xi32>
    %eq3A_1180 = arith.cmpi eq, %iota3A, %eq3A_1179 : vector<1x16xi32>
    %convert_element_type3A_1181 = arith.extui %eq3A_1180 : vector<1x16xi1> to vector<1x16xi32>
    %convert_element_type3A_1182 = arith.sitofp %convert_element_type3A_1181 : vector<1x16xi32> to vector<1x16xf32>
    %mul3A_1183 = vector.broadcast %convert_element_type3A_1182 : vector<1x16xf32> to vector<128x16xf32>
    %mul3A_1184 = arith.mulf %get3A_61, %mul3A_1183 : vector<128x16xf32>
    %reduce_sum3A_1185 = arith.constant dense<0.000000e+00> : vector<128xf32>
    %reduce_sum3A_1186 = vector.multi_reduction <add>, %mul3A_1184, %reduce_sum3A_1185 [1] : vector<128x16xf32> to vector<128xf32>
    %broadcast_in_dim3A_1187 = vector.shape_cast %reduce_sum3A_1186 : vector<128xf32> to vector<128x1xf32>
    %mul3A_1188 = vector.broadcast %convert_element_type3A_1182 : vector<1x16xf32> to vector<128x16xf32>
    %mul3A_1189 = arith.mulf %get3A_64, %mul3A_1188 : vector<128x16xf32>
    %reduce_sum3A_1190 = arith.constant dense<0.000000e+00> : vector<128xf32>
    %reduce_sum3A_1191 = vector.multi_reduction <add>, %mul3A_1189, %reduce_sum3A_1190 [1] : vector<128x16xf32> to vector<128xf32>
    %broadcast_in_dim3A_1192 = vector.shape_cast %reduce_sum3A_1191 : vector<128xf32> to vector<128x1xf32>
    %mul3A_1193 = vector.broadcast %convert_element_type3A_1182 : vector<1x16xf32> to vector<128x16xf32>
    %mul3A_1194 = arith.mulf %get3A_67, %mul3A_1193 : vector<128x16xf32>
    %reduce_sum3A_1195 = arith.constant dense<0.000000e+00> : vector<128xf32>
    %reduce_sum3A_1196 = vector.multi_reduction <add>, %mul3A_1194, %reduce_sum3A_1195 [1] : vector<128x16xf32> to vector<128xf32>
    %broadcast_in_dim3A_1197 = vector.shape_cast %reduce_sum3A_1196 : vector<128xf32> to vector<128x1xf32>
    %get3A_1198 = arith.constant 0 : index
    %get3A_1199 = arith.constant 13 : index
    %get3A_1200 = arith.constant 0 : index
    %get3A_1201 = vector.load %arg5[%get3A_1198, %get3A_1199, %get3A_1200] : memref<1x16x128xf32, #tpu.memory_space<vmem>>, vector<1x1x128xf32>
    %get3A_1202 = vector.shape_cast %get3A_1201 : vector<1x1x128xf32> to vector<1x128xf32>
    %eq3A_1203 = vector.broadcast %broadcast_in_dim3A_1197 : vector<128x1xf32> to vector<128x128xf32>
    %eq3A_1204 = vector.broadcast %get3A_1202 : vector<1x128xf32> to vector<128x128xf32>
    %eq3A_1205 = arith.cmpf oeq, %eq3A_1203, %eq3A_1204 : vector<128x128xf32>
    %and3A_1206 = arith.andi %lt3A_72, %eq3A_1205 : vector<128x128xi1>
    %convert_element_type3A_1207 = arith.extui %and3A_1206 : vector<128x128xi1> to vector<128x128xi32>
    %convert_element_type3A_1208 = arith.sitofp %convert_element_type3A_1207 : vector<128x128xi32> to vector<128x128xf32>
    %mul3A_1209 = vector.broadcast %broadcast_in_dim3A_1187 : vector<128x1xf32> to vector<128x512xf32>
    %mul3A_1210 = arith.mulf %mul3A_1209, %get3A_1177 : vector<128x512xf32>
    %dot_general3A_1211 = arith.constant dense<0.000000e+00> : vector<128x512xf32>
    %dot_general3A_1212 = tpu.matmul %convert_element_type3A_1208, %mul3A_1210, %dot_general3A_1211 {dimension_numbers = #tpu.dot_dimension_numbers<[1], [0], [0], [1], [0, 0, 1, 1], [], []>, transpose_lhs_hint = false} : vector<128x128xf32>, vector<128x512xf32>, vector<128x512xf32> -> vector<128x512xf32>
    %slice3A_1213 = vector.extract_strided_slice %broadcast_in_dim3A_1197 {offsets = [0, 0], sizes = [1, 1], strides = [1, 1]} : vector<128x1xf32> to vector<1x1xf32>
    %eq3A_1214 = vector.broadcast %slice3A_1213 : vector<1x1xf32> to vector<128x1xf32>
    %eq3A_1215 = arith.cmpf oeq, %broadcast_in_dim3A_1197, %eq3A_1214 : vector<128x1xf32>
    %convert_element_type3A_1216 = arith.extui %eq3A_1215 : vector<128x1xi1> to vector<128x1xi32>
    %convert_element_type3A_1217 = arith.sitofp %convert_element_type3A_1216 : vector<128x1xi32> to vector<128x1xf32>
    %get3A_1218 = arith.constant 13 : index
    %get3A_1219 = arith.constant 0 : index
    %get3A_1220 = vector.load %arg9[%get3A_1218, %get3A_1219] : memref<16x512xf32, #tpu.memory_space<vmem>>, vector<1x512xf32>
    %mul3A_1221 = vector.broadcast %convert_element_type3A_1217 : vector<128x1xf32> to vector<128x512xf32>
    %mul3A_1222 = vector.broadcast %get3A_1220 : vector<1x512xf32> to vector<128x512xf32>
    %mul3A_1223 = arith.mulf %mul3A_1221, %mul3A_1222 : vector<128x512xf32>
    %add3A_1224 = arith.addf %dot_general3A_1212, %mul3A_1223 : vector<128x512xf32>
    %gt3A_1225 = arith.constant 0.000000e+00 : f32
    %gt3A_1226 = vector.broadcast %gt3A_1225 : f32 to vector<128x1xf32>
    %gt3A_1227 = arith.cmpf ogt, %broadcast_in_dim3A_1192, %gt3A_1226 : vector<128x1xf32>
    %convert_element_type3A_1228 = arith.extui %gt3A_1227 : vector<128x1xi1> to vector<128x1xi32>
    %convert_element_type3A_1229 = arith.sitofp %convert_element_type3A_1228 : vector<128x1xi32> to vector<128x1xf32>
    %mul3A_1230 = vector.broadcast %convert_element_type3A_1229 : vector<128x1xf32> to vector<128x512xf32>
    %mul3A_1231 = arith.mulf %mul3A_1230, %add3A_1224 : vector<128x512xf32>
    %mul3A_1232 = vector.broadcast %broadcast_in_dim3A_1192 : vector<128x1xf32> to vector<128x512xf32>
    %mul3A_1233 = arith.mulf %mul3A_1232, %get3A_1177 : vector<128x512xf32>
    %add3A_1234 = arith.addf %mul3A_1231, %mul3A_1233 : vector<128x512xf32>
    %swap3A_1235 = arith.constant 13 : index
    %swap3A_1236 = arith.constant 0 : index
    %swap3A_1237 = arith.constant 0 : index
    %swap3A_1238 = vector.load %arg6[%swap3A_1235, %swap3A_1236, %swap3A_1237] : memref<16x128x512xf32, #tpu.memory_space<vmem>>, vector<1x128x512xf32>
    %swap3A_1239 = vector.shape_cast %swap3A_1238 : vector<1x128x512xf32> to vector<128x512xf32>
    %swap3A_1240 = vector.shape_cast %add3A_1234 : vector<128x512xf32> to vector<1x128x512xf32>
    tpu.vector_store %arg6[%swap3A_1235, %swap3A_1236, %swap3A_1237], %swap3A_1240 {strides = array<i32>} : memref<16x128x512xf32, #tpu.memory_space<vmem>>, vector<1x128x512xf32>,
    %slice3A_1241 = vector.extract_strided_slice %get3A_1202 {offsets = [0, 127], sizes = [1, 1], strides = [1, 1]} : vector<1x128xf32> to vector<1x1xf32>
    %eq3A_1242 = vector.broadcast %slice3A_1241 : vector<1x1xf32> to vector<1x128xf32>
    %eq3A_1243 = arith.cmpf oeq, %get3A_1202, %eq3A_1242 : vector<1x128xf32>
    %convert_element_type3A_1244 = arith.extui %eq3A_1243 : vector<1x128xi1> to vector<1x128xi32>
    %convert_element_type3A_1245 = arith.sitofp %convert_element_type3A_1244 : vector<1x128xi32> to vector<1x128xf32>
    %dot_general3A_1246 = arith.constant dense<0.000000e+00> : vector<1x512xf32>
    %dot_general3A_1247 = tpu.matmul %convert_element_type3A_1245, %mul3A_1210, %dot_general3A_1246 {dimension_numbers = #tpu.dot_dimension_numbers<[1], [0], [0], [1], [0, 0, 1, 1], [], []>, transpose_lhs_hint = false} : vector<1x128xf32>, vector<128x512xf32>, vector<1x512xf32> -> vector<1x512xf32>
    %eq3A_1248 = arith.cmpf oeq, %slice3A_1241, %slice3A_1213 : vector<1x1xf32>
    %convert_element_type3A_1249 = arith.extui %eq3A_1248 : vector<1x1xi1> to vector<1x1xi32>
    %convert_element_type3A_1250 = arith.sitofp %convert_element_type3A_1249 : vector<1x1xi32> to vector<1x1xf32>
    %mul3A_1251 = vector.broadcast %convert_element_type3A_1250 : vector<1x1xf32> to vector<1x512xf32>
    %mul3A_1252 = arith.mulf %mul3A_1251, %get3A_1220 : vector<1x512xf32>
    %add3A_1253 = arith.addf %dot_general3A_1247, %mul3A_1252 : vector<1x512xf32>
    %swap3A_1254 = arith.constant 13 : index
    %swap3A_1255 = arith.constant 0 : index
    %swap3A_1256 = vector.load %arg9[%swap3A_1254, %swap3A_1255] : memref<16x512xf32, #tpu.memory_space<vmem>>, vector<1x512xf32>
    tpu.vector_store %arg9[%swap3A_1254, %swap3A_1255], %add3A_1253 {strides = array<i32>} : memref<16x512xf32, #tpu.memory_space<vmem>>, vector<1x512xf32>,
    %get3A_1257 = arith.index_cast %select_n3A_59 : i32 to index
    %get3A_1258 = arith.constant 0 : index
    %get3A_1259 = arith.constant 14 : index
    %get3A_1260 = arith.constant 0 : index
    %get3A_1261 = vector.load %arg7[%get3A_1257, %get3A_1258, %get3A_1259, %get3A_1260] : memref<3x128x16x512xf32, #tpu.memory_space<vmem>>, vector<1x128x1x512xf32>
    %get3A_1262 = vector.shape_cast %get3A_1261 : vector<1x128x1x512xf32> to vector<128x512xf32>
    %eq3A_1263 = arith.constant 14 : i32
    %eq3A_1264 = vector.broadcast %eq3A_1263 : i32 to vector<1x16xi32>
    %eq3A_1265 = arith.cmpi eq, %iota3A, %eq3A_1264 : vector<1x16xi32>
    %convert_element_type3A_1266 = arith.extui %eq3A_1265 : vector<1x16xi1> to vector<1x16xi32>
    %convert_element_type3A_1267 = arith.sitofp %convert_element_type3A_1266 : vector<1x16xi32> to vector<1x16xf32>
    %mul3A_1268 = vector.broadcast %convert_element_type3A_1267 : vector<1x16xf32> to vector<128x16xf32>
    %mul3A_1269 = arith.mulf %get3A_61, %mul3A_1268 : vector<128x16xf32>
    %reduce_sum3A_1270 = arith.constant dense<0.000000e+00> : vector<128xf32>
    %reduce_sum3A_1271 = vector.multi_reduction <add>, %mul3A_1269, %reduce_sum3A_1270 [1] : vector<128x16xf32> to vector<128xf32>
    %broadcast_in_dim3A_1272 = vector.shape_cast %reduce_sum3A_1271 : vector<128xf32> to vector<128x1xf32>
    %mul3A_1273 = vector.broadcast %convert_element_type3A_1267 : vector<1x16xf32> to vector<128x16xf32>
    %mul3A_1274 = arith.mulf %get3A_64, %mul3A_1273 : vector<128x16xf32>
    %reduce_sum3A_1275 = arith.constant dense<0.000000e+00> : vector<128xf32>
    %reduce_sum3A_1276 = vector.multi_reduction <add>, %mul3A_1274, %reduce_sum3A_1275 [1] : vector<128x16xf32> to vector<128xf32>
    %broadcast_in_dim3A_1277 = vector.shape_cast %reduce_sum3A_1276 : vector<128xf32> to vector<128x1xf32>
    %mul3A_1278 = vector.broadcast %convert_element_type3A_1267 : vector<1x16xf32> to vector<128x16xf32>
    %mul3A_1279 = arith.mulf %get3A_67, %mul3A_1278 : vector<128x16xf32>
    %reduce_sum3A_1280 = arith.constant dense<0.000000e+00> : vector<128xf32>
    %reduce_sum3A_1281 = vector.multi_reduction <add>, %mul3A_1279, %reduce_sum3A_1280 [1] : vector<128x16xf32> to vector<128xf32>
    %broadcast_in_dim3A_1282 = vector.shape_cast %reduce_sum3A_1281 : vector<128xf32> to vector<128x1xf32>
    %get3A_1283 = arith.constant 0 : index
    %get3A_1284 = arith.constant 14 : index
    %get3A_1285 = arith.constant 0 : index
    %get3A_1286 = vector.load %arg5[%get3A_1283, %get3A_1284, %get3A_1285] : memref<1x16x128xf32, #tpu.memory_space<vmem>>, vector<1x1x128xf32>
    %get3A_1287 = vector.shape_cast %get3A_1286 : vector<1x1x128xf32> to vector<1x128xf32>
    %eq3A_1288 = vector.broadcast %broadcast_in_dim3A_1282 : vector<128x1xf32> to vector<128x128xf32>
    %eq3A_1289 = vector.broadcast %get3A_1287 : vector<1x128xf32> to vector<128x128xf32>
    %eq3A_1290 = arith.cmpf oeq, %eq3A_1288, %eq3A_1289 : vector<128x128xf32>
    %and3A_1291 = arith.andi %lt3A_72, %eq3A_1290 : vector<128x128xi1>
    %convert_element_type3A_1292 = arith.extui %and3A_1291 : vector<128x128xi1> to vector<128x128xi32>
    %convert_element_type3A_1293 = arith.sitofp %convert_element_type3A_1292 : vector<128x128xi32> to vector<128x128xf32>
    %mul3A_1294 = vector.broadcast %broadcast_in_dim3A_1272 : vector<128x1xf32> to vector<128x512xf32>
    %mul3A_1295 = arith.mulf %mul3A_1294, %get3A_1262 : vector<128x512xf32>
    %dot_general3A_1296 = arith.constant dense<0.000000e+00> : vector<128x512xf32>
    %dot_general3A_1297 = tpu.matmul %convert_element_type3A_1293, %mul3A_1295, %dot_general3A_1296 {dimension_numbers = #tpu.dot_dimension_numbers<[1], [0], [0], [1], [0, 0, 1, 1], [], []>, transpose_lhs_hint = false} : vector<128x128xf32>, vector<128x512xf32>, vector<128x512xf32> -> vector<128x512xf32>
    %slice3A_1298 = vector.extract_strided_slice %broadcast_in_dim3A_1282 {offsets = [0, 0], sizes = [1, 1], strides = [1, 1]} : vector<128x1xf32> to vector<1x1xf32>
    %eq3A_1299 = vector.broadcast %slice3A_1298 : vector<1x1xf32> to vector<128x1xf32>
    %eq3A_1300 = arith.cmpf oeq, %broadcast_in_dim3A_1282, %eq3A_1299 : vector<128x1xf32>
    %convert_element_type3A_1301 = arith.extui %eq3A_1300 : vector<128x1xi1> to vector<128x1xi32>
    %convert_element_type3A_1302 = arith.sitofp %convert_element_type3A_1301 : vector<128x1xi32> to vector<128x1xf32>
    %get3A_1303 = arith.constant 14 : index
    %get3A_1304 = arith.constant 0 : index
    %get3A_1305 = vector.load %arg9[%get3A_1303, %get3A_1304] : memref<16x512xf32, #tpu.memory_space<vmem>>, vector<1x512xf32>
    %mul3A_1306 = vector.broadcast %convert_element_type3A_1302 : vector<128x1xf32> to vector<128x512xf32>
    %mul3A_1307 = vector.broadcast %get3A_1305 : vector<1x512xf32> to vector<128x512xf32>
    %mul3A_1308 = arith.mulf %mul3A_1306, %mul3A_1307 : vector<128x512xf32>
    %add3A_1309 = arith.addf %dot_general3A_1297, %mul3A_1308 : vector<128x512xf32>
    %gt3A_1310 = arith.constant 0.000000e+00 : f32
    %gt3A_1311 = vector.broadcast %gt3A_1310 : f32 to vector<128x1xf32>
    %gt3A_1312 = arith.cmpf ogt, %broadcast_in_dim3A_1277, %gt3A_1311 : vector<128x1xf32>
    %convert_element_type3A_1313 = arith.extui %gt3A_1312 : vector<128x1xi1> to vector<128x1xi32>
    %convert_element_type3A_1314 = arith.sitofp %convert_element_type3A_1313 : vector<128x1xi32> to vector<128x1xf32>
    %mul3A_1315 = vector.broadcast %convert_element_type3A_1314 : vector<128x1xf32> to vector<128x512xf32>
    %mul3A_1316 = arith.mulf %mul3A_1315, %add3A_1309 : vector<128x512xf32>
    %mul3A_1317 = vector.broadcast %broadcast_in_dim3A_1277 : vector<128x1xf32> to vector<128x512xf32>
    %mul3A_1318 = arith.mulf %mul3A_1317, %get3A_1262 : vector<128x512xf32>
    %add3A_1319 = arith.addf %mul3A_1316, %mul3A_1318 : vector<128x512xf32>
    %swap3A_1320 = arith.constant 14 : index
    %swap3A_1321 = arith.constant 0 : index
    %swap3A_1322 = arith.constant 0 : index
    %swap3A_1323 = vector.load %arg6[%swap3A_1320, %swap3A_1321, %swap3A_1322] : memref<16x128x512xf32, #tpu.memory_space<vmem>>, vector<1x128x512xf32>
    %swap3A_1324 = vector.shape_cast %swap3A_1323 : vector<1x128x512xf32> to vector<128x512xf32>
    %swap3A_1325 = vector.shape_cast %add3A_1319 : vector<128x512xf32> to vector<1x128x512xf32>
    tpu.vector_store %arg6[%swap3A_1320, %swap3A_1321, %swap3A_1322], %swap3A_1325 {strides = array<i32>} : memref<16x128x512xf32, #tpu.memory_space<vmem>>, vector<1x128x512xf32>,
    %slice3A_1326 = vector.extract_strided_slice %get3A_1287 {offsets = [0, 127], sizes = [1, 1], strides = [1, 1]} : vector<1x128xf32> to vector<1x1xf32>
    %eq3A_1327 = vector.broadcast %slice3A_1326 : vector<1x1xf32> to vector<1x128xf32>
    %eq3A_1328 = arith.cmpf oeq, %get3A_1287, %eq3A_1327 : vector<1x128xf32>
    %convert_element_type3A_1329 = arith.extui %eq3A_1328 : vector<1x128xi1> to vector<1x128xi32>
    %convert_element_type3A_1330 = arith.sitofp %convert_element_type3A_1329 : vector<1x128xi32> to vector<1x128xf32>
    %dot_general3A_1331 = arith.constant dense<0.000000e+00> : vector<1x512xf32>
    %dot_general3A_1332 = tpu.matmul %convert_element_type3A_1330, %mul3A_1295, %dot_general3A_1331 {dimension_numbers = #tpu.dot_dimension_numbers<[1], [0], [0], [1], [0, 0, 1, 1], [], []>, transpose_lhs_hint = false} : vector<1x128xf32>, vector<128x512xf32>, vector<1x512xf32> -> vector<1x512xf32>
    %eq3A_1333 = arith.cmpf oeq, %slice3A_1326, %slice3A_1298 : vector<1x1xf32>
    %convert_element_type3A_1334 = arith.extui %eq3A_1333 : vector<1x1xi1> to vector<1x1xi32>
    %convert_element_type3A_1335 = arith.sitofp %convert_element_type3A_1334 : vector<1x1xi32> to vector<1x1xf32>
    %mul3A_1336 = vector.broadcast %convert_element_type3A_1335 : vector<1x1xf32> to vector<1x512xf32>
    %mul3A_1337 = arith.mulf %mul3A_1336, %get3A_1305 : vector<1x512xf32>
    %add3A_1338 = arith.addf %dot_general3A_1332, %mul3A_1337 : vector<1x512xf32>
    %swap3A_1339 = arith.constant 14 : index
    %swap3A_1340 = arith.constant 0 : index
    %swap3A_1341 = vector.load %arg9[%swap3A_1339, %swap3A_1340] : memref<16x512xf32, #tpu.memory_space<vmem>>, vector<1x512xf32>
    tpu.vector_store %arg9[%swap3A_1339, %swap3A_1340], %add3A_1338 {strides = array<i32>} : memref<16x512xf32, #tpu.memory_space<vmem>>, vector<1x512xf32>,
    %get3A_1342 = arith.index_cast %select_n3A_59 : i32 to index
    %get3A_1343 = arith.constant 0 : index
    %get3A_1344 = arith.constant 15 : index
    %get3A_1345 = arith.constant 0 : index
    %get3A_1346 = vector.load %arg7[%get3A_1342, %get3A_1343, %get3A_1344, %get3A_1345] : memref<3x128x16x512xf32, #tpu.memory_space<vmem>>, vector<1x128x1x512xf32>
    %get3A_1347 = vector.shape_cast %get3A_1346 : vector<1x128x1x512xf32> to vector<128x512xf32>
    %eq3A_1348 = arith.constant 15 : i32
    %eq3A_1349 = vector.broadcast %eq3A_1348 : i32 to vector<1x16xi32>
    %eq3A_1350 = arith.cmpi eq, %iota3A, %eq3A_1349 : vector<1x16xi32>
    %convert_element_type3A_1351 = arith.extui %eq3A_1350 : vector<1x16xi1> to vector<1x16xi32>
    %convert_element_type3A_1352 = arith.sitofp %convert_element_type3A_1351 : vector<1x16xi32> to vector<1x16xf32>
    %mul3A_1353 = vector.broadcast %convert_element_type3A_1352 : vector<1x16xf32> to vector<128x16xf32>
    %mul3A_1354 = arith.mulf %get3A_61, %mul3A_1353 : vector<128x16xf32>
    %reduce_sum3A_1355 = arith.constant dense<0.000000e+00> : vector<128xf32>
    %reduce_sum3A_1356 = vector.multi_reduction <add>, %mul3A_1354, %reduce_sum3A_1355 [1] : vector<128x16xf32> to vector<128xf32>
    %broadcast_in_dim3A_1357 = vector.shape_cast %reduce_sum3A_1356 : vector<128xf32> to vector<128x1xf32>
    %mul3A_1358 = vector.broadcast %convert_element_type3A_1352 : vector<1x16xf32> to vector<128x16xf32>
    %mul3A_1359 = arith.mulf %get3A_64, %mul3A_1358 : vector<128x16xf32>
    %reduce_sum3A_1360 = arith.constant dense<0.000000e+00> : vector<128xf32>
    %reduce_sum3A_1361 = vector.multi_reduction <add>, %mul3A_1359, %reduce_sum3A_1360 [1] : vector<128x16xf32> to vector<128xf32>
    %broadcast_in_dim3A_1362 = vector.shape_cast %reduce_sum3A_1361 : vector<128xf32> to vector<128x1xf32>
    %mul3A_1363 = vector.broadcast %convert_element_type3A_1352 : vector<1x16xf32> to vector<128x16xf32>
    %mul3A_1364 = arith.mulf %get3A_67, %mul3A_1363 : vector<128x16xf32>
    %reduce_sum3A_1365 = arith.constant dense<0.000000e+00> : vector<128xf32>
    %reduce_sum3A_1366 = vector.multi_reduction <add>, %mul3A_1364, %reduce_sum3A_1365 [1] : vector<128x16xf32> to vector<128xf32>
    %broadcast_in_dim3A_1367 = vector.shape_cast %reduce_sum3A_1366 : vector<128xf32> to vector<128x1xf32>
    %get3A_1368 = arith.constant 0 : index
    %get3A_1369 = arith.constant 15 : index
    %get3A_1370 = arith.constant 0 : index
    %get3A_1371 = vector.load %arg5[%get3A_1368, %get3A_1369, %get3A_1370] : memref<1x16x128xf32, #tpu.memory_space<vmem>>, vector<1x1x128xf32>
    %get3A_1372 = vector.shape_cast %get3A_1371 : vector<1x1x128xf32> to vector<1x128xf32>
    %eq3A_1373 = vector.broadcast %broadcast_in_dim3A_1367 : vector<128x1xf32> to vector<128x128xf32>
    %eq3A_1374 = vector.broadcast %get3A_1372 : vector<1x128xf32> to vector<128x128xf32>
    %eq3A_1375 = arith.cmpf oeq, %eq3A_1373, %eq3A_1374 : vector<128x128xf32>
    %and3A_1376 = arith.andi %lt3A_72, %eq3A_1375 : vector<128x128xi1>
    %convert_element_type3A_1377 = arith.extui %and3A_1376 : vector<128x128xi1> to vector<128x128xi32>
    %convert_element_type3A_1378 = arith.sitofp %convert_element_type3A_1377 : vector<128x128xi32> to vector<128x128xf32>
    %mul3A_1379 = vector.broadcast %broadcast_in_dim3A_1357 : vector<128x1xf32> to vector<128x512xf32>
    %mul3A_1380 = arith.mulf %mul3A_1379, %get3A_1347 : vector<128x512xf32>
    %dot_general3A_1381 = arith.constant dense<0.000000e+00> : vector<128x512xf32>
    %dot_general3A_1382 = tpu.matmul %convert_element_type3A_1378, %mul3A_1380, %dot_general3A_1381 {dimension_numbers = #tpu.dot_dimension_numbers<[1], [0], [0], [1], [0, 0, 1, 1], [], []>, transpose_lhs_hint = false} : vector<128x128xf32>, vector<128x512xf32>, vector<128x512xf32> -> vector<128x512xf32>
    %slice3A_1383 = vector.extract_strided_slice %broadcast_in_dim3A_1367 {offsets = [0, 0], sizes = [1, 1], strides = [1, 1]} : vector<128x1xf32> to vector<1x1xf32>
    %eq3A_1384 = vector.broadcast %slice3A_1383 : vector<1x1xf32> to vector<128x1xf32>
    %eq3A_1385 = arith.cmpf oeq, %broadcast_in_dim3A_1367, %eq3A_1384 : vector<128x1xf32>
    %convert_element_type3A_1386 = arith.extui %eq3A_1385 : vector<128x1xi1> to vector<128x1xi32>
    %convert_element_type3A_1387 = arith.sitofp %convert_element_type3A_1386 : vector<128x1xi32> to vector<128x1xf32>
    %get3A_1388 = arith.constant 15 : index
    %get3A_1389 = arith.constant 0 : index
    %get3A_1390 = vector.load %arg9[%get3A_1388, %get3A_1389] : memref<16x512xf32, #tpu.memory_space<vmem>>, vector<1x512xf32>
    %mul3A_1391 = vector.broadcast %convert_element_type3A_1387 : vector<128x1xf32> to vector<128x512xf32>
    %mul3A_1392 = vector.broadcast %get3A_1390 : vector<1x512xf32> to vector<128x512xf32>
    %mul3A_1393 = arith.mulf %mul3A_1391, %mul3A_1392 : vector<128x512xf32>
    %add3A_1394 = arith.addf %dot_general3A_1382, %mul3A_1393 : vector<128x512xf32>
    %gt3A_1395 = arith.constant 0.000000e+00 : f32
    %gt3A_1396 = vector.broadcast %gt3A_1395 : f32 to vector<128x1xf32>
    %gt3A_1397 = arith.cmpf ogt, %broadcast_in_dim3A_1362, %gt3A_1396 : vector<128x1xf32>
    %convert_element_type3A_1398 = arith.extui %gt3A_1397 : vector<128x1xi1> to vector<128x1xi32>
    %convert_element_type3A_1399 = arith.sitofp %convert_element_type3A_1398 : vector<128x1xi32> to vector<128x1xf32>
    %mul3A_1400 = vector.broadcast %convert_element_type3A_1399 : vector<128x1xf32> to vector<128x512xf32>
    %mul3A_1401 = arith.mulf %mul3A_1400, %add3A_1394 : vector<128x512xf32>
    %mul3A_1402 = vector.broadcast %broadcast_in_dim3A_1362 : vector<128x1xf32> to vector<128x512xf32>
    %mul3A_1403 = arith.mulf %mul3A_1402, %get3A_1347 : vector<128x512xf32>
    %add3A_1404 = arith.addf %mul3A_1401, %mul3A_1403 : vector<128x512xf32>
    %swap3A_1405 = arith.constant 15 : index
    %swap3A_1406 = arith.constant 0 : index
    %swap3A_1407 = arith.constant 0 : index
    %swap3A_1408 = vector.load %arg6[%swap3A_1405, %swap3A_1406, %swap3A_1407] : memref<16x128x512xf32, #tpu.memory_space<vmem>>, vector<1x128x512xf32>
    %swap3A_1409 = vector.shape_cast %swap3A_1408 : vector<1x128x512xf32> to vector<128x512xf32>
    %swap3A_1410 = vector.shape_cast %add3A_1404 : vector<128x512xf32> to vector<1x128x512xf32>
    tpu.vector_store %arg6[%swap3A_1405, %swap3A_1406, %swap3A_1407], %swap3A_1410 {strides = array<i32>} : memref<16x128x512xf32, #tpu.memory_space<vmem>>, vector<1x128x512xf32>,
    %slice3A_1411 = vector.extract_strided_slice %get3A_1372 {offsets = [0, 127], sizes = [1, 1], strides = [1, 1]} : vector<1x128xf32> to vector<1x1xf32>
    %eq3A_1412 = vector.broadcast %slice3A_1411 : vector<1x1xf32> to vector<1x128xf32>
    %eq3A_1413 = arith.cmpf oeq, %get3A_1372, %eq3A_1412 : vector<1x128xf32>
    %convert_element_type3A_1414 = arith.extui %eq3A_1413 : vector<1x128xi1> to vector<1x128xi32>
    %convert_element_type3A_1415 = arith.sitofp %convert_element_type3A_1414 : vector<1x128xi32> to vector<1x128xf32>
    %dot_general3A_1416 = arith.constant dense<0.000000e+00> : vector<1x512xf32>
    %dot_general3A_1417 = tpu.matmul %convert_element_type3A_1415, %mul3A_1380, %dot_general3A_1416 {dimension_numbers = #tpu.dot_dimension_numbers<[1], [0], [0], [1], [0, 0, 1, 1], [], []>, transpose_lhs_hint = false} : vector<1x128xf32>, vector<128x512xf32>, vector<1x512xf32> -> vector<1x512xf32>
    %eq3A_1418 = arith.cmpf oeq, %slice3A_1411, %slice3A_1383 : vector<1x1xf32>
    %convert_element_type3A_1419 = arith.extui %eq3A_1418 : vector<1x1xi1> to vector<1x1xi32>
    %convert_element_type3A_1420 = arith.sitofp %convert_element_type3A_1419 : vector<1x1xi32> to vector<1x1xf32>
    %mul3A_1421 = vector.broadcast %convert_element_type3A_1420 : vector<1x1xf32> to vector<1x512xf32>
    %mul3A_1422 = arith.mulf %mul3A_1421, %get3A_1390 : vector<1x512xf32>
    %add3A_1423 = arith.addf %dot_general3A_1417, %mul3A_1422 : vector<1x512xf32>
    %swap3A_1424 = arith.constant 15 : index
    %swap3A_1425 = arith.constant 0 : index
    %swap3A_1426 = vector.load %arg9[%swap3A_1424, %swap3A_1425] : memref<16x512xf32, #tpu.memory_space<vmem>>, vector<1x512xf32>
    tpu.vector_store %arg9[%swap3A_1424, %swap3A_1425], %add3A_1423 {strides = array<i32>} : memref<16x512xf32, #tpu.memory_space<vmem>>, vector<1x512xf32>,
    return
  }
  func.func @transform_1(%arg0: i32) -> (i32, i32) {
    %c0_i32 = arith.constant 0 : i32
    %c0_i32_0 = arith.constant 0 : i32
    return %arg0, %c0_i32 : i32, i32
  }
  func.func @transform_2(%arg0: i32) -> (i32, i32) {
    %c0_i32 = arith.constant 0 : i32
    %c0_i32_0 = arith.constant 0 : i32
    return %arg0, %c0_i32 : i32, i32
  }
  func.func @transform_3(%arg0: i32) -> (i32, i32) {
    %c0_i32 = arith.constant 0 : i32
    %c0_i32_0 = arith.constant 0 : i32
    return %arg0, %c0_i32 : i32, i32
  }
  func.func @transform_4(%arg0: i32) -> (i32, i32, i32) {
    %c0_i32 = arith.constant 0 : i32
    %c0_i32_0 = arith.constant 0 : i32
    %c0_i32_1 = arith.constant 0 : i32
    return %arg0, %c0_i32, %c0_i32_0 : i32, i32, i32
  }
  func.func @transform_5(%arg0: i32) -> (i32, i32, i32) {
    %c0_i32 = arith.constant 0 : i32
    %c0_i32_0 = arith.constant 0 : i32
    %c0_i32_1 = arith.constant 0 : i32
    return %c0_i32, %arg0, %c0_i32_0 : i32, i32, i32
  }
}

</mosaic_0001>

<sc_bundles>
// kernel: kernel.4.cloned.1.call-start
scs
__scs_entry_jumppad:
0x0: {  	(pc) =	sbr.rel $0x88, $3  }
0x1: {  	(tag) =	ssettag $0x0;
	lr =	simm.s32 $0x1  }
0x2: {  	[smem:$0x3F9D] =	sst lr;
	_ =	strace $0xD0000000  }
0x3: {  	_ = 	snop  }
0x4: {  	_ = 	snop  }
0x5: {  	_ = 	snop  }
0x6: {  	_ = 	snop  }
0x7: {  	_ = 	snop  }
__scs_overlays_trampoline_lowered:
0x8: {  	[smem:$0x3FAC] =	sst s0  }
0x9: {  	[smem:$0x3FAD] =	sst s1  }
0xa: {  	[smem:$0x3FAE] =	sst s2  }
0xb: {  	[smem:$0x3FAF] =	sst s3  }
0xc: {  	[smem:$0x3FB0] =	sst s4  }
0xd: {  	[smem:$0x3FB1] =	sst s5  }
0xe: {  	[smem:$0x3FB2] =	sst s6  }
0xf: {  	[smem:$0x3FB3] =	sst s7  }
0x10: {  	[smem:$0x3FB4] =	sst s8  }
0x11: {  	[smem:$0x3FB5] =	sst s9;
	s0 =	simm.s32 @!p0 $0x0  }
0x12: {  	s1 =	sld [smem:$0x3F9B];
	s0 =	simm.s32 @p0 $0x1  }
0x13: {  	[smem:$0x3FB6] =	sst s0;
	s0 =	simm.s32 @!p1 $0x0  }
0x14: {  	s2 =	sld [smem:$0x3F9A];
	s0 =	simm.s32 @p1 $0x1  }
0x15: {  	[smem:$0x3FB7] =	sst s0;
	s0 =	simm.s32 @!p2 $0x0  }
0x16: {  	s3 =	sld [smem:$0x3FDB];
	s0 =	simm.s32 @p2 $0x1  }
0x17: {  	s4 =	simm.s32 $0x1BF5;
	[smem:$0x3FB9] =	sst s0  }
0x18: {  	s0 =	sld [smem:$0x3F9C];
	_ =	swait.ge [sflag:s4], $0x0  }
0x19: {  	s7 =	sld [smem:$0x3F9D]  }
0x1a: {  	s8 =	sadd.s32 $0xFFFFE003, lr  }
0x1b: {  	s9 =	sadd.s32 $0xFFFFFEF7, lr;
	s5 =	simm.s32 $0xFFFFFFFF;
	p2 =	slt.u32 s8, $0xFFFFF086  }
0x1c: {  	p1 =	slt.u32 s9, $0xF7A;
	s5 =	simm.s32 @!p2 $0x0  }
0x1d: {  	s5 =	simm.s32 @p1 $0x1;
	p0 =	seq.s32 s7, s2  }
0x1e: {  	s7 =	smul.u32 @!p0 $0xF7A, s2;
	p2 =	seq.s32 @!p0 s5, $0x0  }
0x1f: {  	s9 =	smul.u32 $0xF7A, s1;
	s8 =	simm.s32 @!p0 $0x1BF5;
	p2 =	por !p2, p0  }
0x20: {  	[sflag:s8] =	ssyncset.s32 @!p0 $0xFFFFF086;
	s6 =	sadd.s32 @!p0 s3, s7;
	s7 =	simm.s32 @!p0 $0x108  }
0x21: {  	s3 =	sadd.s32 s3, s9;
	s6 =	sadd.s32 @!p0 $0x88, s6;
	s7 =	simm.s32 @p2 $0x1082  }
0x22: {  	[simem:s7], [sflag:s8] =	dma.local @!p0 [hbm:s6], $0xF7A  }
0x23: {  	s9 =	sor.u32 $0xD0000000, s2;
	s6 =	simm.s32 $0x108;
	_ =	swait.ge @!p0 [sflag:s8], $0x0  }
0x24: {  	s3 =	sadd.s32 $0x88, s3;
	s6 =	simm.s32 @!p1 $0x1082;
	[sflag:s4] =	ssyncset.s32 $0xFFFFF086  }
0x25: {  	[simem:s6], [sflag:s4] =	dma.local [hbm:s3], $0xF7A  }
0x26: {  	[smem:$0x3F9D] =	sst s1;
	(tag) =	ssettag s2;
	_ =	strace s9  }
0x27: {  	s1 =	sld [smem:$0x3FAD]  }
0x28: {  	s2 =	sld [smem:$0x3FAE]  }
0x29: {  	s4 =	sld [smem:$0x3FB0]  }
0x2a: {  	p0 =	seq.s32 s5, $0x0;
	s5 =	sld [smem:$0x3FB1]  }
0x2b: {  	s6 =	sld [smem:$0x3FB2]  }
0x2c: {  	s7 =	sld [smem:$0x3FB3]  }
0x2d: {  	s3 =	simm.s32 $0x108;
	s8 =	sld [smem:$0x3FB4]  }
0x2e: {  	s3 =	simm.s32 @!p0 $0x1082;
	s9 =	sld [smem:$0x3FB5]  }
0x2f: {  	lr =	sadd.s32 s0, s3;
	s0 =	sld [smem:$0x3FAC]  }
0x30: {  	s3 =	sld [smem:$0x3FAF]  }
0x31: {  	[smem:$0x3FB8] =	sst s10  }
0x32: {  	s10 =	sld [smem:$0x3FB6];
	_ =	sdelay $0x3  }
0x33: {  	p0 =	seq.s32 s10, $0x1;
	s10 =	sld [smem:$0x3FB8];
	_ =	sdelay $0x3  }
0x34: {  	[smem:$0x3FB8] =	sst s10  }
0x35: {  	s10 =	sld [smem:$0x3FB7];
	_ =	sdelay $0x3  }
0x36: {  	p1 =	seq.s32 s10, $0x1;
	s10 =	sld [smem:$0x3FB8];
	_ =	sdelay $0x3  }
0x37: {  	[smem:$0x3FB8] =	sst s10  }
0x38: {  	s10 =	sld [smem:$0x3FB9]  }
0x39: {  	_ = 	snop;
	(pc) =	sbr.ind lr, $3  }
0x3a: {  	_ = 	snop  }
0x3b: {  	_ = 	snop  }
0x3c: {  	p2 =	seq.s32 s10, $0x1;
	s10 =	sld [smem:$0x3FB8]  }
0x3d: {  	_ =	shalt  }
0x3e: {  	_ =	shalt  }
0x3f: {  	_ =	shalt  }
0x40: {  	_ =	shalt  }
0x41: {  	_ =	shalt  }
0x42: {  	_ =	shalt  }
0x43: {  	_ =	shalt  }
0x44: {  	_ =	shalt  }
0x45: {  	_ =	shalt  }
0x46: {  	_ =	shalt  }
0x47: {  	_ =	shalt  }
0x48: {  	_ =	shalt  }
0x49: {  	_ =	shalt  }
0x4a: {  	_ =	shalt  }
0x4b: {  	_ =	shalt  }
0x4c: {  	_ =	shalt  }
0x4d: {  	_ =	shalt  }
0x4e: {  	_ =	shalt  }
0x4f: {  	_ =	shalt  }
0x50: {  	_ =	shalt  }
0x51: {  	_ =	shalt  }
0x52: {  	_ =	shalt  }
0x53: {  	_ =	shalt  }
0x54: {  	_ =	shalt  }
0x55: {  	_ =	shalt  }
0x56: {  	_ =	shalt  }
0x57: {  	_ =	shalt  }
0x58: {  	_ =	shalt  }
0x59: {  	_ =	shalt  }
0x5a: {  	_ =	shalt  }
0x5b: {  	_ =	shalt  }
0x5c: {  	_ =	shalt  }
0x5d: {  	_ =	shalt  }
0x5e: {  	_ =	shalt  }
0x5f: {  	_ =	shalt  }
0x60: {  	_ =	shalt  }
0x61: {  	_ =	shalt  }
0x62: {  	_ =	shalt  }
0x63: {  	_ =	shalt  }
0x64: {  	_ =	shalt  }
0x65: {  	_ =	shalt  }
0x66: {  	_ =	shalt  }
0x67: {  	_ =	shalt  }
0x68: {  	_ =	shalt  }
0x69: {  	_ =	shalt  }
0x6a: {  	_ =	shalt  }
0x6b: {  	_ =	shalt  }
0x6c: {  	_ =	shalt  }
0x6d: {  	_ =	shalt  }
0x6e: {  	_ =	shalt  }
0x6f: {  	_ =	shalt  }
0x70: {  	_ =	shalt  }
0x71: {  	_ =	shalt  }
0x72: {  	_ =	shalt  }
0x73: {  	_ =	shalt  }
0x74: {  	_ =	shalt  }
0x75: {  	_ =	shalt  }
0x76: {  	_ =	shalt  }
0x77: {  	_ =	shalt  }
0x78: {  	_ =	shalt  }
0x79: {  	_ =	shalt  }
0x7a: {  	_ =	shalt  }
0x7b: {  	_ =	shalt  }
0x7c: {  	_ =	shalt  }
0x7d: {  	_ =	shalt  }
0x7e: {  	_ =	shalt  }
0x7f: {  	_ =	shalt  }
0x80: {  	_ =	shalt  }
0x81: {  	_ =	shalt  }
0x82: {  	_ =	shalt  }
0x83: {  	_ =	shalt  }
0x84: {  	_ =	shalt  }
0x85: {  	_ =	shalt  }
0x86: {  	_ =	shalt  }
0x87: {  	_ =	shalt  }
.Lfunc_end0:
.L_simem_size_0:
called_computation_lowered:
.L_overlay_start_0:
0x88: {  	s2 =	sld [smem:$0x3FD9]  }
0x89: {  	s3 =	sld [smem:$0x3FFE];
	_ =	sdelay $0x1  }
0x8a: {  	s1 =	srdreg.scid  }
0x8b: {  	s0 =	sand.u32 $0x1, s1  }
0x8c: {  	s17 =	sshll.u32 s0, $0xA;
	s2 =	sadd.s32 s3, s2  }
0x8d: {  	s2 =	sadd.s32 s2, s17  }
0x8e: {  	[smem:$0x3FC4] =	sst s2  }
0x8f: {  	_ = 	snop  }
0x90: {  	s2 =	sld [smem:$0x3FD0];
	(tm) =	ssettm $0x1  }
0x91: {  	s18 =	sld [smem:$0x3FFB];
	_ =	sdelay $0x3  }
0x92: {  	_ =	strace s18  }
0x93: {  	s3 =	sld [smem:$0x3FFC];
	_ =	sdelay $0x3  }
0x94: {  	_ =	strace s3  }
0x95: {  	s3 =	sld [smem:$0x3FFD];
	_ =	sdelay $0x3  }
0x96: {  	_ =	strace s3  }
0x97: {  	_ =	strace $0x8FFFFFFF  }
0x98: {  	s19 =	sld [smem:$0x3FDB];
	_ =	sdelay $0x1  }
0x99: {  	s4 =	simm.s32 $_scs_section_size  }
0x9a: {  	s5 =	simm.s32 $_size__tile_overlayer_lowered;
	s6 =	simm.s32 $_tile_overlayer_lowered  }
0x9b: {  	s22 =	simm.s32 $0x1BFF;
	s21 =	sshll.u32 s6, $0x1;
	s3 =	sadd.s32 s4, s19  }
0x9c: {  	s7 =	simm.s32 $0x0;
	s20 =	sshll.u32 s5, $0x1;
	s5 =	sadd.s32 s21, s3  }
0x9d: {  	[timem:s7], [sflag:s22] =	dma.local [hbm:s5], s20  }
0x9e: {  	_ =	swait.ge [sflag:s22], s20  }
0x9f: {  	s4 =	ssub.s32 $0x0, s20;
	[sflag:s22] =	ssyncset.done $0x0  }
0xa0: {  	[sflag:s22] =	ssyncadd.s32 s4;
	_ =	sdelay $0x1  }
0xa1: {  	s23 =	simm.s32 $0x1B8B  }
0xa2: {  	_ =	swait.ge [sflag:s23], $0x1  }
0xa3: {  	[sflag:s23] =	ssyncset.done $0x0  }
0xa4: {  	s25 =	simm.s32 $0x1B8E;
	s24 =	sld [smem:$0x3FFE];
	[sflag:s23] =	ssyncadd.s32 $0xFFFFFFFF  }
0xa5: {  	s26 =	simm.s32 $execute0_lowered;
	[smem:$0x3FD2] =	sst s25  }
0xa6: {  	s5 =	sshll.u32 s26, $0x1;
	_ =	strace $0x80000046;
	[dreg:$0x1] =	wrdreg $0xFFFFFFFF  }
0xa7: {  	s28 =	simm.s32 $_size_execute0_lowered;
	s3 =	sadd.s32 s3, s5;
	[dreg:$0x0] =	wrdreg $0x0  }
0xa8: {  	s5 =	sshll.u32 s28, $0x1;
	[dreg:$0x2] =	wrdreg s3  }
0xa9: {  	[dreg:$0x3] =	wrdreg s5  }
0xaa: {  	[dreg:$0x4] =	wrdreg $0xC0  }
0xab: {  	_ =	task [dreg:s7], $0x5FFFF  }
0xac: {  	[dreg:$0x1] =	wrdreg $0xFFFFFFFF  }
0xad: {  	[dreg:$0x0] =	wrdreg $0x60  }
0xae: {  	[dreg:$0x2] =	wrdreg s2  }
0xaf: {  	[dreg:$0x3] =	wrdreg s24  }
0xb0: {  	[dreg:$0x4] =	wrdreg $0x9  }
0xb1: {  	_ =	task.clear_ibuf [dreg:s7], $0x5FFFF;
	_ =	strace $0x90000046  }
0xb2: {  	s29 =	simm.s32 $0x9;
	_ =	strace $0x80000048  }
0xb3: {  	_ =	swait.ge [sflag:s29], $0x1  }
0xb4: {  	[sflag:s29] =	ssyncadd.s32 $0xFFFFFFFF  }
0xb5: {  	_ =	strace $0x90000048  }
0xb6: {  	_ =	sfence  }
0xb7: {  	s30 =	sld [smem:$0x0];
	_ =	sdelay $0x2  }
0xb8: {  	s31 =	sshll.u32 s1, $0xD;
	s1 =	sshrl.u32 s1, $0x2  }
0xb9: {  	s3 =	sand.u32 $0x4000, s31;
	s1 =	sadd.s32 s1, s30  }
0xba: {  	s0 =	sor.u32 s3, s0;
	s1 =	sshll.u32 s1, $0x11  }
0xbb: {  	s0 =	sor.u32 s1, s0  }
0xbc: {  	s0 =	sadd.s32 $0x8F2B, s0  }
0xbd: {  	[sflag:s0] =	ssyncadd.remote.s32 $0x1  }
0xbe: {  	_ =	sfence.sel $0xFFFF  }
0xbf: {  	[dreg:$0x0] =	wrdreg $0xFFFFFFFF;
	(pc) =	sbr.abs _section_cstart, $3  }
0xc0: {  	[dreg:$0x1] =	wrdreg $0xFFFFFFFF  }
0xc1: {  	_ =	task.clear_ibuf [dreg:s7], $0x2FFFF;
	_ =	strace $0x9FFFFFFF  }
0xc2: {  	(tm) =	ssettm $0x7FFFFFFF  }
0xc3: {  	_ =	shalt  }
tec
execute0_lowered:
.L_overlay_start_1:
0x0: {  	(tag) =	ssettag $0x1  }
0x1: {  	s0 =	srdreg.scid  }
0x2: {  	s1 =	stileid.u32;
	s5 =	sand.u32 $0x1, s0  }
0x3: {  	s4 =	sor.u32 s1, s5  }
0x4: {  	p0 =	sne.s32 s4, $0x0  }
.Ltmp0:
0x5: {  	_ = 	snop;
	(pc) =	sbr.rel @p0 .LBB2_7-.Ltmp0, $4  }
0x6: {  	s2 =	rddreg [dreg:$0x0]  }
0x7: {  	s14 =	rddreg [dreg:$0x1];
	s3 =	simm.s32 $0x0  }
0x8: {  	[smem:$0x7FF] =	sst s3  }
0x9: {  	s0 =	rddreg [dreg:$0x2];
	_ =	strace $0x80000047  }
0xa: {  	s4 =	sadd.s32 $0x800, s14;
	s9 =	ssub.s32 $0x2, s5  }
0xb: {  	s5 =	sadd.s32 $0xA00, s14;
	s6 =	sadd.s32 $0x1A00, s14;
	s7 =	sadd.s32 $0x2A00, s14  }
0xc: {  	s8 =	sadd.s32 $0x3A00, s14;
	s11 =	sadd.s32 $0x1200, s14;
	s12 =	sadd.s32 $0x2200, s14  }
0xd: {  	s13 =	sadd.s32 $0x3200, s14;
	s14 =	sadd.s32 $0x4200, s14;
	s15 =	simm.s32 $0x14000  }
0xe: {  	s16 =	simm.s32 $0x1;
	s17 =	simm.s32 $0x4000;
	s18 =	simm.s32 $0x8000  }
0xf: {  	s19 =	simm.s32 $0xC000;
	s20 =	simm.s32 $0x10000;
	s10 =	sshrl.u32 s9, $0x1  }
0x10: {  	v0 =	vimm.f32 $0.0e+00;
	s21 =	simm.s32 $0x0;
	s9 =	ssub.s32 s9, s10;
	s10 =	sadd.s32 $0x800, s2  }
.LBB2_2:
0x11: {  	s22 =	simm.s32 $0x0  }
0x12: {  	[tilespmem:s15], [sflag:$0x1] =	stream.linear.gather [hbm4b:s4+s22], $0x80, $0x38;
	[tilespmem:$0x14080] =	vst v63  }
0x13: {  	_ =	swait.ge [sflag:s16], $0x80  }
0x14: {  	[sflag:s16] =	ssyncset.done $0x0  }
0x15: {  	[sflag:s16] =	ssyncadd.s32 $0xFFFFFF80  }
0x16: {  	v1 =	vld [tilespmem:$0x14000];
	[tilespmem:s22], [sflag:$0x1] =	stream.linear.gather [hbm4b:s2+s22], $0x4000, $0x38  }
0x17: {  	_ =	swait.ge [sflag:s16], $0x4000  }
0x18: {  	[sflag:s16] =	ssyncset.done $0x0  }
0x19: {  	[sflag:s16] =	ssyncadd.s32 $0xFFFFC000  }
0x1a: {  	v2 =	vld [tilespmem:s22+$0x0];
	_ =	sdelay $0x1  }
0x1b: {  	v3 =	vmov s22  }
0x1c: {  	v3 =	vcvt.s32.f32 v3  }
0x1d: {  	v4 =	vsub.f32 $1.000000000e+00, v0  }
0x1e: {  	v3 =	vbroadcast v3, $0x0;
	v5 =	vadd.f32 v2, v0  }
0x1f: {  	v6 =	vsub.f32 v2, v4  }
0x20: {  	vm1 =	vge.f32 v1, v3;
	vm0 =	vge.f32 v5, $9.900000090e-01  }
0x21: {  	v2 =	vsel vm0, v6, v2;
	vm1 =	vmand vm1, vm0  }
0x22: {  	[tilespmem:s17+$0x0] =	vst v2;
	v2 =	vnsel vm1, $0x0, v4;
	v4 =	vsel vm0, $0x3F800000, v0  }
0x23: {  	s23 =	simm.s32 $0x1;
	s24 =	simm.s32 $0xC010;
	s25 =	simm.s32 $0x10010;
	[tilespmem:s18+$0x0] =	vst v2;
	v2 =	vadd.f32 v4, v0  }
0x24: {  	s29 =	simm.s32 $0x10000;
	s26 =	simm.s32 $0x4000;
	s28 =	simm.s32 $0x8000;
	v3 =	vsel vm0, v6, v5;
	[tilespmem:s19+$0x0] =	vst v0  }
.LBB2_3:
0x25: {  	[tilespmem:s29+$0x0] =	vst v2;
	s22 =	sadd.s32 $0x10, s22;
	s26 =	sadd.s32 $0x10, s26;
	s28 =	sadd.s32 $0x10, s28;
	v4 =	vmov v2  }
0x26: {  	p0 =	sne.s32 s23, $0x3FF;
	s30 =	smov.u32 s23;
	s23 =	sadd.s32 $0x1, s23;
	v5 =	vld [tilespmem:s22+$0x0]  }
0x27: {  	s29 =	smov.u32 s25  }
0x28: {  	v6 =	vmov s30  }
0x29: {  	v6 =	vcvt.s32.f32 v6  }
0x2a: {  	v7 =	vsub.f32 $1.000000000e+00, v3  }
0x2b: {  	v6 =	vbroadcast v6, $0x0;
	v3 =	vadd.f32 v5, v3  }
0x2c: {  	v8 =	vsub.f32 v5, v7  }
.Ltmp1:
0x2d: {  	vm1 =	vge.f32 v1, v6;
	vm0 =	vge.f32 v3, $9.900000090e-01;
	(pc) =	sbr.rel @p0 .LBB2_3-.Ltmp1, $4  }
0x2e: {  	v5 =	vsel vm0, v8, v5;
	vm1 =	vmand vm1, vm0;
	v6 =	vsel vm0, $0x3F800000, v0  }
0x2f: {  	v3 =	vsel vm0, v8, v3;
	[tilespmem:s26+$0x0] =	vst v5;
	v5 =	vnsel vm1, $0x0, v7  }
0x30: {  	v2 =	vadd.f32 v6, v2;
	[tilespmem:s28+$0x0] =	vst v5  }
0x31: {  	s25 =	sadd.s32 $0x10, s25;
	[tilespmem:s24+$0x0] =	vst v4;
	s24 =	sadd.s32 $0x10, s24  }
0x32: {  	[tilespmem:s29+$0x0] =	vst v2;
	s22 =	simm.s32 $0x0;
	s23 =	simm.s32 $0x4000  }
0x33: {  	[hbm4b:s5+s22] =	stream.linear.scatter [tilespmem:s23], [sflag:$0x1], $0x4000, $0x38;
	[tilespmem:$0x14080] =	vst v63  }
0x34: {  	_ =	swait.ge [sflag:s16], $0x4000  }
0x35: {  	[sflag:s16] =	ssyncset.done $0x0  }
0x36: {  	s24 =	simm.s32 $0x8000;
	[sflag:s16] =	ssyncadd.s32 $0xFFFFC000  }
0x37: {  	[hbm4b:s6+s22] =	stream.linear.scatter [tilespmem:s24], [sflag:$0x1], $0x4000, $0x38;
	[tilespmem:$0x14080] =	vst v63  }
0x38: {  	_ =	swait.ge [sflag:s16], $0x4000  }
0x39: {  	[sflag:s16] =	ssyncset.done $0x0  }
0x3a: {  	s28 =	simm.s32 $0xC000;
	[sflag:s16] =	ssyncadd.s32 $0xFFFFC000  }
0x3b: {  	[hbm4b:s7+s22] =	stream.linear.scatter [tilespmem:s28], [sflag:$0x1], $0x4000, $0x38;
	[tilespmem:$0x14080] =	vst v63  }
0x3c: {  	_ =	swait.ge [sflag:s16], $0x4000  }
0x3d: {  	[sflag:s16] =	ssyncset.done $0x0  }
0x3e: {  	s25 =	simm.s32 $0x10000;
	[sflag:s16] =	ssyncadd.s32 $0xFFFFC000  }
0x3f: {  	[hbm4b:s8+s22] =	stream.linear.scatter [tilespmem:s25], [sflag:$0x1], $0x4000, $0x38;
	[tilespmem:$0x14080] =	vst v63  }
0x40: {  	_ =	swait.ge [sflag:s16], $0x4000  }
0x41: {  	[sflag:s16] =	ssyncset.done $0x0  }
0x42: {  	[sflag:s16] =	ssyncadd.s32 $0xFFFFC000  }
0x43: {  	[tilespmem:s22], [sflag:$0x1] =	stream.linear.gather [hbm4b:s10+s22], $0x4000, $0x38;
	[tilespmem:$0x14080] =	vst v63  }
0x44: {  	_ =	swait.ge [sflag:s16], $0x4000  }
0x45: {  	[sflag:s16] =	ssyncset.done $0x0  }
0x46: {  	[sflag:s16] =	ssyncadd.s32 $0xFFFFC000  }
0x47: {  	v5 =	vmov s22;
	v4 =	vld [tilespmem:s22+$0x0]  }
0x48: {  	v5 =	vcvt.s32.f32 v5;
	_ =	sdelay $0x1  }
0x49: {  	v5 =	vadd.f32 $1.024000000e+03, v5  }
0x4a: {  	v6 =	vsub.f32 $1.000000000e+00, v3  }
0x4b: {  	v5 =	vbroadcast v5, $0x0;
	v3 =	vadd.f32 v4, v3  }
0x4c: {  	v7 =	vsub.f32 v4, v6  }
0x4d: {  	vm1 =	vge.f32 v1, v5;
	vm0 =	vge.f32 v3, $9.900000090e-01  }
0x4e: {  	v4 =	vsel vm0, v7, v4;
	vm1 =	vmand vm1, vm0  }
0x4f: {  	v5 =	vsel vm0, $0x3F800000, v0;
	[tilespmem:s23+$0x0] =	vst v4;
	v4 =	vnsel vm1, $0x0, v6  }
0x50: {  	[tilespmem:s24+$0x0] =	vst v4;
	v4 =	vsel vm0, v7, v3;
	v3 =	vadd.f32 v5, v2  }
0x51: {  	s26 =	simm.s32 $0x1;
	s29 =	simm.s32 $0x10010;
	[tilespmem:s28+$0x0] =	vst v2;
	s28 =	simm.s32 $0xC010  }
.LBB2_5:
0x52: {  	[tilespmem:s25+$0x0] =	vst v3;
	s22 =	sadd.s32 $0x10, s22;
	s23 =	sadd.s32 $0x10, s23;
	s24 =	sadd.s32 $0x10, s24;
	v2 =	vmov v3  }
0x53: {  	v6 =	vmov s26;
	p0 =	sne.s32 s26, $0x3FF;
	s26 =	sadd.s32 $0x1, s26;
	s25 =	smov.u32 s29;
	v5 =	vld [tilespmem:s22+$0x0]  }
0x54: {  	v6 =	vcvt.s32.f32 v6;
	_ =	sdelay $0x1  }
0x55: {  	v6 =	vadd.f32 $1.024000000e+03, v6  }
0x56: {  	v7 =	vsub.f32 $1.000000000e+00, v4  }
0x57: {  	v6 =	vbroadcast v6, $0x0;
	v4 =	vadd.f32 v5, v4  }
0x58: {  	v8 =	vsub.f32 v5, v7  }
.Ltmp2:
0x59: {  	vm1 =	vge.f32 v1, v6;
	vm0 =	vge.f32 v4, $9.900000090e-01;
	(pc) =	sbr.rel @p0 .LBB2_5-.Ltmp2, $4  }
0x5a: {  	v5 =	vsel vm0, v8, v5;
	vm1 =	vmand vm1, vm0;
	v6 =	vsel vm0, $0x3F800000, v0  }
0x5b: {  	v4 =	vsel vm0, v8, v4;
	[tilespmem:s23+$0x0] =	vst v5;
	v5 =	vnsel vm1, $0x0, v7  }
0x5c: {  	v3 =	vadd.f32 v6, v3;
	[tilespmem:s24+$0x0] =	vst v5  }
0x5d: {  	s29 =	sadd.s32 $0x10, s29;
	[tilespmem:s28+$0x0] =	vst v2;
	s28 =	sadd.s32 $0x10, s28  }
0x5e: {  	[tilespmem:s25+$0x0] =	vst v3  }
0x5f: {  	[hbm4b:s11+s3] =	stream.linear.scatter [tilespmem:s17], [sflag:$0x1], $0x4000, $0x38;
	[tilespmem:$0x14080] =	vst v63  }
0x60: {  	_ =	swait.ge [sflag:s16], $0x4000  }
0x61: {  	[sflag:s16] =	ssyncset.done $0x0  }
0x62: {  	[sflag:s16] =	ssyncadd.s32 $0xFFFFC000  }
0x63: {  	[hbm4b:s12+s3] =	stream.linear.scatter [tilespmem:s18], [sflag:$0x1], $0x4000, $0x38;
	[tilespmem:$0x14080] =	vst v63  }
0x64: {  	_ =	swait.ge [sflag:s16], $0x4000  }
0x65: {  	[sflag:s16] =	ssyncset.done $0x0  }
0x66: {  	[sflag:s16] =	ssyncadd.s32 $0xFFFFC000  }
0x67: {  	[hbm4b:s13+s3] =	stream.linear.scatter [tilespmem:s19], [sflag:$0x1], $0x4000, $0x38;
	[tilespmem:$0x14080] =	vst v63  }
0x68: {  	s21 =	sadd.s32 $0x1, s21;
	_ =	swait.ge [sflag:s16], $0x4000  }
0x69: {  	p0 =	sne.s32 s21, s9;
	[sflag:s16] =	ssyncset.done $0x0  }
.Ltmp3:
0x6a: {  	[sflag:s16] =	ssyncadd.s32 $0xFFFFC000;
	(pc) =	sbr.rel @p0 .LBB2_2-.Ltmp3, $4  }
0x6b: {  	[hbm4b:s14+s3] =	stream.linear.scatter [tilespmem:s20], [sflag:$0x1], $0x4000, $0x38;
	[tilespmem:$0x14080] =	vst v63  }
0x6c: {  	_ =	swait.ge [sflag:s16], $0x4000  }
0x6d: {  	[sflag:s16] =	ssyncset.done $0x0  }
0x6e: {  	[sflag:s16] =	ssyncadd.s32 $0xFFFFC000  }
.LBB2_7:
0x6f: {  	_ =	sfence.sel $0x180000  }
0x70: {  	[bflag:$0x0] =	sbarrier.arrive $0xFFFF  }
0x71: {  	p0 =	sne.s32 s1, $0x0;
	_ =	strace $0x90000047  }
0x72: {  	s0 =	sadd.s32 @!p0 $0x100000, s0;
	[bflag:$0x2] =	sbarrier.arrive $0xFFFF  }
0x73: {  	[sflag:s0] =	ssyncadd.tile.s32 @!p0 $0x1;
	_ =	shalt  }
.Lfunc_end2:
_tile_overlayer_lowered:
.L_overlay_start_2:
0x74: {  	(tag) =	ssettag $0x2  }
0x75: {  	s0 =	rddreg [dreg:$0x0];
	s2 =	stileid.u32  }
0x76: {  	s1 =	rddreg [dreg:$0x1];
	p0 =	sne.s32 s2, $0x0  }
0x77: {  	s3 =	rddreg [dreg:$0x2];
	[bflag:$0x3] =	sbarrier.arrive $0xFFFF;
	s2 =	simm.s32 @!p0 $0x1C01  }
0x78: {  	[timem:s3], [sflag:s2] =	dma.local @!p0 [hbm:s0], s1  }
0x79: {  	s0 =	simm.s32 @!p0 $0x1  }
0x7a: {  	_ =	swait.ge @!p0 [sflag:s0], s1  }
0x7b: {  	s1 =	ssub.s32 @!p0 $0x0, s1;
	[sflag:s0] =	ssyncset.done @!p0 $0x0  }
0x7c: {  	[sflag:s0] =	ssyncadd.s32 @!p0 s1  }
0x7d: {  	[bflag:$0x3] =	sbarrier.arrive $0xFFFF  }
0x7e: {  	_ =	shalt  }

</sc_bundles>
